<compile_context>
chip_gen: v7x
topology: tpu7x:2x2x1
jax: 0.10.2.dev20260603
libtpu: 0.0.44.dev20260713+nightly
codegen_flags: <defaults>
</compile_context>

<pallas_src>
import functools

import jax
import jax.numpy as jnp
from jax import lax
from jax.experimental import pallas as pl
from jax.experimental.pallas import tpu as pltpu
from jax.experimental.pallas import tpu_sc as plsc

_H = 16
_TOTAL_B = 64
_QL = 2048
_KL = 2048
_LINE = 4096
_QBLK = 256
_NSEM = 8

_THRESH = (19, 21, 24, 27, 31, 35, 40, 46, 52, 59, 67, 77, 87, 99, 113)

_LANES = 16
_NW = 32
_IBLK = _LINE // _NW


def _sc_body(emb_hbm, delta_hbm, lines_hbm, emb_v, delta_v, out_v):
    cid = lax.axis_index("c")
    sid = lax.axis_index("s")
    wid = sid * 2 + cid
    i0 = wid * _IBLK
    pltpu.sync_copy(emb_hbm, emb_v)
    pltpu.sync_copy(delta_hbm, delta_v)
    delta = delta_v[...]
    lane = lax.iota(jnp.int32, _LANES)
    zero = jnp.full((_LANES,), 0, jnp.int32)
    sixteen = jnp.full((_LANES,), 16, jnp.int32)
    thirty_two = jnp.full((_LANES,), 32, jnp.int32)

    def step(t, carry):
        i = lane + (i0 + t * _LANES)
        rel = i - jnp.int32(_KL - 1) + delta
        r = jnp.abs(rel)
        large = sixteen
        for thr in _THRESH:
            large = jnp.where(r >= thr, large + 1, large)
        b = jnp.where(r < sixteen, r, large) + jnp.where(rel > zero, thirty_two, zero)
        bh = b * _H
        for h2 in range(_H):
            out_v[h2, pl.ds(t * _LANES, _LANES)] = plsc.load_gather(emb_v, [bh + h2])
        return carry

    lax.fori_loop(0, _IBLK // _LANES, step, 0)
    for h2 in range(_H):
        pltpu.sync_copy(out_v.at[h2], lines_hbm.at[pl.ds(h2 * _LINE + i0, _IBLK)])


def _sc_lines(emb_flat, delta_vec):
    mesh = plsc.VectorSubcoreMesh(core_axis_name="c", subcore_axis_name="s")
    fn = functools.partial(
        pl.kernel,
        out_type=jax.ShapeDtypeStruct((_H * _LINE,), jnp.float32),
        mesh=mesh,
        scratch_types=[
            pltpu.VMEM((_TOTAL_B * _H,), jnp.float32),
            pltpu.VMEM((_LANES,), jnp.int32),
            pltpu.VMEM((_H, _IBLK), jnp.float32),
        ],
        compiler_params=pltpu.CompilerParams(needs_layout_passes=False),
    )(_sc_body)
    return fn(emb_flat, delta_vec).reshape(_H, _LINE)


def _tc_body(lines_ref, out_ref, m_ref, sems):
    h = pl.program_id(0)
    a = pl.program_id(1)
    i = h * (_QL // _QBLK) + a
    n = _H * (_QL // _QBLK)

    mh = m_ref.at[h % 2]

    @pl.when(a == 0)
    def _():
        mh[_QBLK - 1, :] = lines_ref[h, :]
        for j in range(8):
            w = 1 << j
            src = mh[_QBLK - w:_QBLK, :]
            mh[_QBLK - 2 * w:_QBLK - w, :] = pltpu.roll(src, _LINE - w, 1)

    u0 = pl.multiple_of((_QL - _QBLK) - _QBLK * a, _QBLK)
    src = mh.at[:, pl.ds(u0, _KL)]
    dst = out_ref.at[h, pl.ds(a * _QBLK, _QBLK), :]

    @pl.when(i >= _NSEM)
    def _():
        pltpu.make_async_copy(src, dst, sems.at[i % _NSEM]).wait()

    pltpu.make_async_copy(src, dst, sems.at[i % _NSEM]).start()

    @pl.when(i == n - 1)
    def _():
        for t in range(_NSEM):
            pltpu.make_async_copy(src, dst, sems.at[t]).wait()


def _tc_expand(lines):
    return pl.pallas_call(
        _tc_body,
        grid=(_H, _QL // _QBLK),
        in_specs=[pl.BlockSpec((_H, _LINE), lambda h, a: (0, 0))],
        out_specs=pl.BlockSpec(memory_space=pl.ANY),
        out_shape=jax.ShapeDtypeStruct((_H, _QL, _KL), jnp.float32),
        scratch_shapes=[
            pltpu.VMEM((2, _QBLK, _LINE), jnp.float32),
            pltpu.SemaphoreType.DMA((_NSEM,)),
        ],
    )(lines)


def kernel(q_len, k_len, emb):
    delta = jnp.asarray(k_len, jnp.int32) - jnp.asarray(q_len, jnp.int32)
    delta_vec = jnp.broadcast_to(delta, (_LANES,))
    lines = _sc_lines(emb.reshape(_TOTAL_B * _H), delta_vec)
    return _tc_expand(lines)[None]

# --- scband reference (transcript-rebuilt; emitter-appended) ---
"""Pipeline reference for scband-relative-position-bias-20143396619175 (READ-ONLY COPY).

The authoritative reference and input builder live on the scoring server;
editing this copy changes nothing except your own understanding.
"""

import math
import jax, jax.numpy as jnp
import numpy as np

NUM_HEADS = 16
NUM_BUCKETS = 32
MAX_DISTANCE = 128
BIDIRECTIONAL = True

Q_LEN = 2048
K_LEN = 2048


def setup_inputs(seed: int = 0) -> dict:
    key = jax.random.key(seed)
    total_buckets = NUM_BUCKETS * 2 if BIDIRECTIONAL else NUM_BUCKETS
    emb = jax.random.normal(key, (total_buckets, NUM_HEADS), dtype=jnp.float32)
    return {"q_len": 2048, "k_len": 2048, "emb": emb}


def _relative_position_bucket(rel_pos):
    n = NUM_BUCKETS
    if BIDIRECTIONAL:
        sign = (rel_pos > 0).astype(jnp.int32)
        rel = jnp.abs(rel_pos)
        half = n
        max_exact = half // 2
        is_small = rel < max_exact
        large = max_exact + (
            jnp.log(rel.astype(jnp.float32) / max_exact + 1e-06)
            / math.log(MAX_DISTANCE / max_exact)
            * (half - max_exact)
        ).astype(jnp.int32)
        large = jnp.minimum(large, half - 1)
        buckets = jnp.where(is_small, rel, large)
        buckets = buckets + sign * half
        total = 2 * n
        return jnp.clip(buckets, 0, total - 1)
    else:
        rel = jnp.maximum(-rel_pos, 0)
        max_exact = n // 2
        is_small = rel < max_exact
        large = max_exact + (
            jnp.log(rel.astype(jnp.float32) / max_exact + 1e-06)
            / math.log(MAX_DISTANCE / max_exact)
            * (n - max_exact)
        ).astype(jnp.int32)
        large = jnp.minimum(large, n - 1)
        buckets = jnp.where(is_small, rel, large)
        return jnp.clip(buckets, 0, n - 1)


def reference(q_len, k_len, emb):
    q_zero = jnp.asarray(q_len, dtype=jnp.int32) - jnp.int32(Q_LEN)
    k_zero = jnp.asarray(k_len, dtype=jnp.int32) - jnp.int32(K_LEN)
    q_pos = jnp.arange(Q_LEN, dtype=jnp.int32) + q_zero
    k_pos = jnp.arange(K_LEN, dtype=jnp.int32) + k_zero
    rel = k_pos[None, :] - q_pos[:, None]
    buckets = _relative_position_bucket(rel)
    bias = jnp.take(emb, buckets, axis=0)  # [q, k, H]
    bias = jnp.transpose(bias, (2, 0, 1))  # [H, q, k]
    return bias[None, ...]  # [1, H, q, k]

if __name__ == "__main__":
    import jax
    _d = setup_inputs()
    print(jax.jit(kernel)(*tuple(_d.values())))

</pallas_src>

<mosaic_0001>
#map = affine_map<(d0, d1) -> (0)>
module attributes {stable_mosaic.version = 14 : i64} {
  func.func @_sc_body(%arg0: i32, %arg1: i32, %arg2: memref<1024xf32, #tpu.memory_space<hbm>>, %arg3: memref<16xi32, #tpu.memory_space<hbm>>, %arg4: memref<65536xf32, #tpu.memory_space<hbm>>, %arg5: memref<1024xf32, #tpu.memory_space<vmem>>, %arg6: memref<16xi32, #tpu.memory_space<vmem>>, %arg7: memref<16x128xf32, #tpu.memory_space<vmem>>) attributes {dimension_semantics = [#tpu.dimension_semantics<core_parallel>, #tpu.dimension_semantics<subcore_parallel>], iteration_bounds = array<i64: 2, 16>, scalar_prefetch = 0 : i64, scratch_operands = 3 : i64, tpu.core_type = #tpu.core_type<sc_vector_subcore>, window_params = [{transform_indices = #map}, {transform_indices = #map}, {transform_indices = #map}]} {
    %mul3A = arith.constant 2 : i32
    %mul3A_0 = arith.muli %arg1, %mul3A : i32
    %add3A = arith.addi %mul3A_0, %arg0 : i32
    %mul3A_1 = arith.constant 128 : i32
    %mul3A_2 = arith.muli %add3A, %mul3A_1 : i32
    "tpu.region"() ({
      %run_scoped3A_61 = tpu.sem_alloc : memref<!tpu.dma_semaphore, #tpu.memory_space<semaphore_mem>>
      tpu.enqueue_dma source(%arg2 : memref<1024xf32, #tpu.memory_space<hbm>>) target(%arg5 : memref<1024xf32, #tpu.memory_space<vmem>>) target_semaphore(%run_scoped3A_61 : memref<!tpu.dma_semaphore, #tpu.memory_space<semaphore_mem>>)
      tpu.wait_dma2 semaphore(%run_scoped3A_61 : memref<!tpu.dma_semaphore, #tpu.memory_space<semaphore_mem>>) src(%arg2 : memref<1024xf32, #tpu.memory_space<hbm>>) dst(%arg5 : memref<1024xf32, #tpu.memory_space<vmem>>)
      tpu.yield
    }) : () -> ()
    "tpu.region"() ({
      %run_scoped3A_61 = tpu.sem_alloc : memref<!tpu.dma_semaphore, #tpu.memory_space<semaphore_mem>>
      tpu.enqueue_dma source(%arg3 : memref<16xi32, #tpu.memory_space<hbm>>) target(%arg6 : memref<16xi32, #tpu.memory_space<vmem>>) target_semaphore(%run_scoped3A_61 : memref<!tpu.dma_semaphore, #tpu.memory_space<semaphore_mem>>)
      tpu.wait_dma2 semaphore(%run_scoped3A_61 : memref<!tpu.dma_semaphore, #tpu.memory_space<semaphore_mem>>) src(%arg3 : memref<16xi32, #tpu.memory_space<hbm>>) dst(%arg6 : memref<16xi32, #tpu.memory_space<vmem>>)
      tpu.yield
    }) : () -> ()
    %get3A = arith.constant 0 : index
    %get3A_3 = tpu.vector_load %arg6[%get3A] {strides = array<i32>} : memref<16xi32, #tpu.memory_space<vmem>>, vector<16xi32>,
    %iota3A = tpu.iota {dimensions = array<i32: 0>} : vector<16xi32>
    %broadcast_in_dim3A = arith.constant 0 : i32
    %broadcast_in_dim3A_4 = vector.broadcast %broadcast_in_dim3A : i32 to vector<16xi32>
    %broadcast_in_dim3A_5 = arith.constant 16 : i32
    %broadcast_in_dim3A_6 = vector.broadcast %broadcast_in_dim3A_5 : i32 to vector<16xi32>
    %broadcast_in_dim3A_7 = arith.constant 32 : i32
    %broadcast_in_dim3A_8 = vector.broadcast %broadcast_in_dim3A_7 : i32 to vector<16xi32>
    %scan3A = arith.constant 0 : i32
    %scan3A_9 = arith.constant 0 : i32
    %scan3A_10 = arith.constant 8 : i32
    %scan3A_11 = arith.addi %scan3A_9, %scan3A_10 : i32
    %scan3A_12 = arith.constant 1 : i32
    scf.for %scan3A_61 = %scan3A_9 to %scan3A_11 step %scan3A_12  : i32 {
      %mul3A_62 = arith.constant 16 : i32
      %mul3A_63 = arith.muli %scan3A_61, %mul3A_62 : i32
      %add3A_64 = arith.addi %mul3A_2, %mul3A_63 : i32
      %add3A_65 = vector.broadcast %add3A_64 : i32 to vector<16xi32>
      %add3A_66 = arith.addi %iota3A, %add3A_65 : vector<16xi32>
      %sub3A = arith.constant 2047 : i32
      %sub3A_67 = vector.broadcast %sub3A : i32 to vector<16xi32>
      %sub3A_68 = arith.subi %add3A_66, %sub3A_67 : vector<16xi32>
      %add3A_69 = arith.addi %sub3A_68, %get3A_3 : vector<16xi32>
      %abs3A = math.absi %add3A_69 : vector<16xi32>
      %ge3A = arith.constant 19 : i32
      %ge3A_70 = vector.broadcast %ge3A : i32 to vector<16xi32>
      %ge3A_71 = arith.cmpi sge, %abs3A, %ge3A_70 : vector<16xi32>
      %add3A_72 = arith.constant 1 : i32
      %add3A_73 = vector.broadcast %add3A_72 : i32 to vector<16xi32>
      %add3A_74 = arith.addi %broadcast_in_dim3A_6, %add3A_73 : vector<16xi32>
      %select_n3A = arith.select %ge3A_71, %add3A_74, %broadcast_in_dim3A_6 : vector<16xi1>, vector<16xi32>
      %ge3A_75 = arith.constant 21 : i32
      %ge3A_76 = vector.broadcast %ge3A_75 : i32 to vector<16xi32>
      %ge3A_77 = arith.cmpi sge, %abs3A, %ge3A_76 : vector<16xi32>
      %add3A_78 = arith.constant 1 : i32
      %add3A_79 = vector.broadcast %add3A_78 : i32 to vector<16xi32>
      %add3A_80 = arith.addi %select_n3A, %add3A_79 : vector<16xi32>
      %select_n3A_81 = arith.select %ge3A_77, %add3A_80, %select_n3A : vector<16xi1>, vector<16xi32>
      %ge3A_82 = arith.constant 24 : i32
      %ge3A_83 = vector.broadcast %ge3A_82 : i32 to vector<16xi32>
      %ge3A_84 = arith.cmpi sge, %abs3A, %ge3A_83 : vector<16xi32>
      %add3A_85 = arith.constant 1 : i32
      %add3A_86 = vector.broadcast %add3A_85 : i32 to vector<16xi32>
      %add3A_87 = arith.addi %select_n3A_81, %add3A_86 : vector<16xi32>
      %select_n3A_88 = arith.select %ge3A_84, %add3A_87, %select_n3A_81 : vector<16xi1>, vector<16xi32>
      %ge3A_89 = arith.constant 27 : i32
      %ge3A_90 = vector.broadcast %ge3A_89 : i32 to vector<16xi32>
      %ge3A_91 = arith.cmpi sge, %abs3A, %ge3A_90 : vector<16xi32>
      %add3A_92 = arith.constant 1 : i32
      %add3A_93 = vector.broadcast %add3A_92 : i32 to vector<16xi32>
      %add3A_94 = arith.addi %select_n3A_88, %add3A_93 : vector<16xi32>
      %select_n3A_95 = arith.select %ge3A_91, %add3A_94, %select_n3A_88 : vector<16xi1>, vector<16xi32>
      %ge3A_96 = arith.constant 31 : i32
      %ge3A_97 = vector.broadcast %ge3A_96 : i32 to vector<16xi32>
      %ge3A_98 = arith.cmpi sge, %abs3A, %ge3A_97 : vector<16xi32>
      %add3A_99 = arith.constant 1 : i32
      %add3A_100 = vector.broadcast %add3A_99 : i32 to vector<16xi32>
      %add3A_101 = arith.addi %select_n3A_95, %add3A_100 : vector<16xi32>
      %select_n3A_102 = arith.select %ge3A_98, %add3A_101, %select_n3A_95 : vector<16xi1>, vector<16xi32>
      %ge3A_103 = arith.constant 35 : i32
      %ge3A_104 = vector.broadcast %ge3A_103 : i32 to vector<16xi32>
      %ge3A_105 = arith.cmpi sge, %abs3A, %ge3A_104 : vector<16xi32>
      %add3A_106 = arith.constant 1 : i32
      %add3A_107 = vector.broadcast %add3A_106 : i32 to vector<16xi32>
      %add3A_108 = arith.addi %select_n3A_102, %add3A_107 : vector<16xi32>
      %select_n3A_109 = arith.select %ge3A_105, %add3A_108, %select_n3A_102 : vector<16xi1>, vector<16xi32>
      %ge3A_110 = arith.constant 40 : i32
      %ge3A_111 = vector.broadcast %ge3A_110 : i32 to vector<16xi32>
      %ge3A_112 = arith.cmpi sge, %abs3A, %ge3A_111 : vector<16xi32>
      %add3A_113 = arith.constant 1 : i32
      %add3A_114 = vector.broadcast %add3A_113 : i32 to vector<16xi32>
      %add3A_115 = arith.addi %select_n3A_109, %add3A_114 : vector<16xi32>
      %select_n3A_116 = arith.select %ge3A_112, %add3A_115, %select_n3A_109 : vector<16xi1>, vector<16xi32>
      %ge3A_117 = arith.constant 46 : i32
      %ge3A_118 = vector.broadcast %ge3A_117 : i32 to vector<16xi32>
      %ge3A_119 = arith.cmpi sge, %abs3A, %ge3A_118 : vector<16xi32>
      %add3A_120 = arith.constant 1 : i32
      %add3A_121 = vector.broadcast %add3A_120 : i32 to vector<16xi32>
      %add3A_122 = arith.addi %select_n3A_116, %add3A_121 : vector<16xi32>
      %select_n3A_123 = arith.select %ge3A_119, %add3A_122, %select_n3A_116 : vector<16xi1>, vector<16xi32>
      %ge3A_124 = arith.constant 52 : i32
      %ge3A_125 = vector.broadcast %ge3A_124 : i32 to vector<16xi32>
      %ge3A_126 = arith.cmpi sge, %abs3A, %ge3A_125 : vector<16xi32>
      %add3A_127 = arith.constant 1 : i32
      %add3A_128 = vector.broadcast %add3A_127 : i32 to vector<16xi32>
      %add3A_129 = arith.addi %select_n3A_123, %add3A_128 : vector<16xi32>
      %select_n3A_130 = arith.select %ge3A_126, %add3A_129, %select_n3A_123 : vector<16xi1>, vector<16xi32>
      %ge3A_131 = arith.constant 59 : i32
      %ge3A_132 = vector.broadcast %ge3A_131 : i32 to vector<16xi32>
      %ge3A_133 = arith.cmpi sge, %abs3A, %ge3A_132 : vector<16xi32>
      %add3A_134 = arith.constant 1 : i32
      %add3A_135 = vector.broadcast %add3A_134 : i32 to vector<16xi32>
      %add3A_136 = arith.addi %select_n3A_130, %add3A_135 : vector<16xi32>
      %select_n3A_137 = arith.select %ge3A_133, %add3A_136, %select_n3A_130 : vector<16xi1>, vector<16xi32>
      %ge3A_138 = arith.constant 67 : i32
      %ge3A_139 = vector.broadcast %ge3A_138 : i32 to vector<16xi32>
      %ge3A_140 = arith.cmpi sge, %abs3A, %ge3A_139 : vector<16xi32>
      %add3A_141 = arith.constant 1 : i32
      %add3A_142 = vector.broadcast %add3A_141 : i32 to vector<16xi32>
      %add3A_143 = arith.addi %select_n3A_137, %add3A_142 : vector<16xi32>
      %select_n3A_144 = arith.select %ge3A_140, %add3A_143, %select_n3A_137 : vector<16xi1>, vector<16xi32>
      %ge3A_145 = arith.constant 77 : i32
      %ge3A_146 = vector.broadcast %ge3A_145 : i32 to vector<16xi32>
      %ge3A_147 = arith.cmpi sge, %abs3A, %ge3A_146 : vector<16xi32>
      %add3A_148 = arith.constant 1 : i32
      %add3A_149 = vector.broadcast %add3A_148 : i32 to vector<16xi32>
      %add3A_150 = arith.addi %select_n3A_144, %add3A_149 : vector<16xi32>
      %select_n3A_151 = arith.select %ge3A_147, %add3A_150, %select_n3A_144 : vector<16xi1>, vector<16xi32>
      %ge3A_152 = arith.constant 87 : i32
      %ge3A_153 = vector.broadcast %ge3A_152 : i32 to vector<16xi32>
      %ge3A_154 = arith.cmpi sge, %abs3A, %ge3A_153 : vector<16xi32>
      %add3A_155 = arith.constant 1 : i32
      %add3A_156 = vector.broadcast %add3A_155 : i32 to vector<16xi32>
      %add3A_157 = arith.addi %select_n3A_151, %add3A_156 : vector<16xi32>
      %select_n3A_158 = arith.select %ge3A_154, %add3A_157, %select_n3A_151 : vector<16xi1>, vector<16xi32>
      %ge3A_159 = arith.constant 99 : i32
      %ge3A_160 = vector.broadcast %ge3A_159 : i32 to vector<16xi32>
      %ge3A_161 = arith.cmpi sge, %abs3A, %ge3A_160 : vector<16xi32>
      %add3A_162 = arith.constant 1 : i32
      %add3A_163 = vector.broadcast %add3A_162 : i32 to vector<16xi32>
      %add3A_164 = arith.addi %select_n3A_158, %add3A_163 : vector<16xi32>
      %select_n3A_165 = arith.select %ge3A_161, %add3A_164, %select_n3A_158 : vector<16xi1>, vector<16xi32>
      %ge3A_166 = arith.constant 113 : i32
      %ge3A_167 = vector.broadcast %ge3A_166 : i32 to vector<16xi32>
      %ge3A_168 = arith.cmpi sge, %abs3A, %ge3A_167 : vector<16xi32>
      %add3A_169 = arith.constant 1 : i32
      %add3A_170 = vector.broadcast %add3A_169 : i32 to vector<16xi32>
      %add3A_171 = arith.addi %select_n3A_165, %add3A_170 : vector<16xi32>
      %select_n3A_172 = arith.select %ge3A_168, %add3A_171, %select_n3A_165 : vector<16xi1>, vector<16xi32>
      %lt3A = arith.cmpi slt, %abs3A, %broadcast_in_dim3A_6 : vector<16xi32>
      %select_n3A_173 = arith.select %lt3A, %abs3A, %select_n3A_172 : vector<16xi1>, vector<16xi32>
      %gt3A = arith.cmpi sgt, %add3A_69, %broadcast_in_dim3A_4 : vector<16xi32>
      %select_n3A_174 = arith.select %gt3A, %broadcast_in_dim3A_8, %broadcast_in_dim3A_4 : vector<16xi1>, vector<16xi32>
      %add3A_175 = arith.addi %select_n3A_173, %select_n3A_174 : vector<16xi32>
      %mul3A_176 = arith.constant 16 : i32
      %mul3A_177 = vector.broadcast %mul3A_176 : i32 to vector<16xi32>
      %mul3A_178 = arith.muli %add3A_175, %mul3A_177 : vector<16xi32>
      %add3A_179 = arith.constant 0 : i32
      %add3A_180 = vector.broadcast %add3A_179 : i32 to vector<16xi32>
      %add3A_181 = arith.addi %mul3A_178, %add3A_180 : vector<16xi32>
      %gather3A = tpu.vector_load_idx %arg5[%add3A_181] : memref<1024xf32, #tpu.memory_space<vmem>>[vector<16xi32>], vector<16xf32>,
      %mul3A_182 = arith.constant 16 : i32
      %mul3A_183 = arith.muli %scan3A_61, %mul3A_182 : i32
      %swap3A = arith.constant 0 : i32
      %swap3A_184 = arith.index_cast %swap3A : i32 to index
      %swap3A_185 = arith.index_cast %mul3A_183 : i32 to index
      %swap3A_186 = tpu.vector_load %arg7[%swap3A_184, %swap3A_185] {strides = array<i32>} : memref<16x128xf32, #tpu.memory_space<vmem>>, vector<16xf32>,
      tpu.vector_store %arg7[%swap3A_184, %swap3A_185], %gather3A {strides = array<i32>} : memref<16x128xf32, #tpu.memory_space<vmem>>, vector<16xf32>,
      %add3A_187 = arith.constant 1 : i32
      %add3A_188 = vector.broadcast %add3A_187 : i32 to vector<16xi32>
      %add3A_189 = arith.addi %mul3A_178, %add3A_188 : vector<16xi32>
      %gather3A_190 = tpu.vector_load_idx %arg5[%add3A_189] : memref<1024xf32, #tpu.memory_space<vmem>>[vector<16xi32>], vector<16xf32>,
      %mul3A_191 = arith.constant 16 : i32
      %mul3A_192 = arith.muli %scan3A_61, %mul3A_191 : i32
      %swap3A_193 = arith.constant 1 : i32
      %swap3A_194 = arith.index_cast %swap3A_193 : i32 to index
      %swap3A_195 = arith.index_cast %mul3A_192 : i32 to index
      %swap3A_196 = tpu.vector_load %arg7[%swap3A_194, %swap3A_195] {strides = array<i32>} : memref<16x128xf32, #tpu.memory_space<vmem>>, vector<16xf32>,
      tpu.vector_store %arg7[%swap3A_194, %swap3A_195], %gather3A_190 {strides = array<i32>} : memref<16x128xf32, #tpu.memory_space<vmem>>, vector<16xf32>,
      %add3A_197 = arith.constant 2 : i32
      %add3A_198 = vector.broadcast %add3A_197 : i32 to vector<16xi32>
      %add3A_199 = arith.addi %mul3A_178, %add3A_198 : vector<16xi32>
      %gather3A_200 = tpu.vector_load_idx %arg5[%add3A_199] : memref<1024xf32, #tpu.memory_space<vmem>>[vector<16xi32>], vector<16xf32>,
      %mul3A_201 = arith.constant 16 : i32
      %mul3A_202 = arith.muli %scan3A_61, %mul3A_201 : i32
      %swap3A_203 = arith.constant 2 : i32
      %swap3A_204 = arith.index_cast %swap3A_203 : i32 to index
      %swap3A_205 = arith.index_cast %mul3A_202 : i32 to index
      %swap3A_206 = tpu.vector_load %arg7[%swap3A_204, %swap3A_205] {strides = array<i32>} : memref<16x128xf32, #tpu.memory_space<vmem>>, vector<16xf32>,
      tpu.vector_store %arg7[%swap3A_204, %swap3A_205], %gather3A_200 {strides = array<i32>} : memref<16x128xf32, #tpu.memory_space<vmem>>, vector<16xf32>,
      %add3A_207 = arith.constant 3 : i32
      %add3A_208 = vector.broadcast %add3A_207 : i32 to vector<16xi32>
      %add3A_209 = arith.addi %mul3A_178, %add3A_208 : vector<16xi32>
      %gather3A_210 = tpu.vector_load_idx %arg5[%add3A_209] : memref<1024xf32, #tpu.memory_space<vmem>>[vector<16xi32>], vector<16xf32>,
      %mul3A_211 = arith.constant 16 : i32
      %mul3A_212 = arith.muli %scan3A_61, %mul3A_211 : i32
      %swap3A_213 = arith.constant 3 : i32
      %swap3A_214 = arith.index_cast %swap3A_213 : i32 to index
      %swap3A_215 = arith.index_cast %mul3A_212 : i32 to index
      %swap3A_216 = tpu.vector_load %arg7[%swap3A_214, %swap3A_215] {strides = array<i32>} : memref<16x128xf32, #tpu.memory_space<vmem>>, vector<16xf32>,
      tpu.vector_store %arg7[%swap3A_214, %swap3A_215], %gather3A_210 {strides = array<i32>} : memref<16x128xf32, #tpu.memory_space<vmem>>, vector<16xf32>,
      %add3A_217 = arith.constant 4 : i32
      %add3A_218 = vector.broadcast %add3A_217 : i32 to vector<16xi32>
      %add3A_219 = arith.addi %mul3A_178, %add3A_218 : vector<16xi32>
      %gather3A_220 = tpu.vector_load_idx %arg5[%add3A_219] : memref<1024xf32, #tpu.memory_space<vmem>>[vector<16xi32>], vector<16xf32>,
      %mul3A_221 = arith.constant 16 : i32
      %mul3A_222 = arith.muli %scan3A_61, %mul3A_221 : i32
      %swap3A_223 = arith.constant 4 : i32
      %swap3A_224 = arith.index_cast %swap3A_223 : i32 to index
      %swap3A_225 = arith.index_cast %mul3A_222 : i32 to index
      %swap3A_226 = tpu.vector_load %arg7[%swap3A_224, %swap3A_225] {strides = array<i32>} : memref<16x128xf32, #tpu.memory_space<vmem>>, vector<16xf32>,
      tpu.vector_store %arg7[%swap3A_224, %swap3A_225], %gather3A_220 {strides = array<i32>} : memref<16x128xf32, #tpu.memory_space<vmem>>, vector<16xf32>,
      %add3A_227 = arith.constant 5 : i32
      %add3A_228 = vector.broadcast %add3A_227 : i32 to vector<16xi32>
      %add3A_229 = arith.addi %mul3A_178, %add3A_228 : vector<16xi32>
      %gather3A_230 = tpu.vector_load_idx %arg5[%add3A_229] : memref<1024xf32, #tpu.memory_space<vmem>>[vector<16xi32>], vector<16xf32>,
      %mul3A_231 = arith.constant 16 : i32
      %mul3A_232 = arith.muli %scan3A_61, %mul3A_231 : i32
      %swap3A_233 = arith.constant 5 : i32
      %swap3A_234 = arith.index_cast %swap3A_233 : i32 to index
      %swap3A_235 = arith.index_cast %mul3A_232 : i32 to index
      %swap3A_236 = tpu.vector_load %arg7[%swap3A_234, %swap3A_235] {strides = array<i32>} : memref<16x128xf32, #tpu.memory_space<vmem>>, vector<16xf32>,
      tpu.vector_store %arg7[%swap3A_234, %swap3A_235], %gather3A_230 {strides = array<i32>} : memref<16x128xf32, #tpu.memory_space<vmem>>, vector<16xf32>,
      %add3A_237 = arith.constant 6 : i32
      %add3A_238 = vector.broadcast %add3A_237 : i32 to vector<16xi32>
      %add3A_239 = arith.addi %mul3A_178, %add3A_238 : vector<16xi32>
      %gather3A_240 = tpu.vector_load_idx %arg5[%add3A_239] : memref<1024xf32, #tpu.memory_space<vmem>>[vector<16xi32>], vector<16xf32>,
      %mul3A_241 = arith.constant 16 : i32
      %mul3A_242 = arith.muli %scan3A_61, %mul3A_241 : i32
      %swap3A_243 = arith.constant 6 : i32
      %swap3A_244 = arith.index_cast %swap3A_243 : i32 to index
      %swap3A_245 = arith.index_cast %mul3A_242 : i32 to index
      %swap3A_246 = tpu.vector_load %arg7[%swap3A_244, %swap3A_245] {strides = array<i32>} : memref<16x128xf32, #tpu.memory_space<vmem>>, vector<16xf32>,
      tpu.vector_store %arg7[%swap3A_244, %swap3A_245], %gather3A_240 {strides = array<i32>} : memref<16x128xf32, #tpu.memory_space<vmem>>, vector<16xf32>,
      %add3A_247 = arith.constant 7 : i32
      %add3A_248 = vector.broadcast %add3A_247 : i32 to vector<16xi32>
      %add3A_249 = arith.addi %mul3A_178, %add3A_248 : vector<16xi32>
      %gather3A_250 = tpu.vector_load_idx %arg5[%add3A_249] : memref<1024xf32, #tpu.memory_space<vmem>>[vector<16xi32>], vector<16xf32>,
      %mul3A_251 = arith.constant 16 : i32
      %mul3A_252 = arith.muli %scan3A_61, %mul3A_251 : i32
      %swap3A_253 = arith.constant 7 : i32
      %swap3A_254 = arith.index_cast %swap3A_253 : i32 to index
      %swap3A_255 = arith.index_cast %mul3A_252 : i32 to index
      %swap3A_256 = tpu.vector_load %arg7[%swap3A_254, %swap3A_255] {strides = array<i32>} : memref<16x128xf32, #tpu.memory_space<vmem>>, vector<16xf32>,
      tpu.vector_store %arg7[%swap3A_254, %swap3A_255], %gather3A_250 {strides = array<i32>} : memref<16x128xf32, #tpu.memory_space<vmem>>, vector<16xf32>,
      %add3A_257 = arith.constant 8 : i32
      %add3A_258 = vector.broadcast %add3A_257 : i32 to vector<16xi32>
      %add3A_259 = arith.addi %mul3A_178, %add3A_258 : vector<16xi32>
      %gather3A_260 = tpu.vector_load_idx %arg5[%add3A_259] : memref<1024xf32, #tpu.memory_space<vmem>>[vector<16xi32>], vector<16xf32>,
      %mul3A_261 = arith.constant 16 : i32
      %mul3A_262 = arith.muli %scan3A_61, %mul3A_261 : i32
      %swap3A_263 = arith.constant 8 : i32
      %swap3A_264 = arith.index_cast %swap3A_263 : i32 to index
      %swap3A_265 = arith.index_cast %mul3A_262 : i32 to index
      %swap3A_266 = tpu.vector_load %arg7[%swap3A_264, %swap3A_265] {strides = array<i32>} : memref<16x128xf32, #tpu.memory_space<vmem>>, vector<16xf32>,
      tpu.vector_store %arg7[%swap3A_264, %swap3A_265], %gather3A_260 {strides = array<i32>} : memref<16x128xf32, #tpu.memory_space<vmem>>, vector<16xf32>,
      %add3A_267 = arith.constant 9 : i32
      %add3A_268 = vector.broadcast %add3A_267 : i32 to vector<16xi32>
      %add3A_269 = arith.addi %mul3A_178, %add3A_268 : vector<16xi32>
      %gather3A_270 = tpu.vector_load_idx %arg5[%add3A_269] : memref<1024xf32, #tpu.memory_space<vmem>>[vector<16xi32>], vector<16xf32>,
      %mul3A_271 = arith.constant 16 : i32
      %mul3A_272 = arith.muli %scan3A_61, %mul3A_271 : i32
      %swap3A_273 = arith.constant 9 : i32
      %swap3A_274 = arith.index_cast %swap3A_273 : i32 to index
      %swap3A_275 = arith.index_cast %mul3A_272 : i32 to index
      %swap3A_276 = tpu.vector_load %arg7[%swap3A_274, %swap3A_275] {strides = array<i32>} : memref<16x128xf32, #tpu.memory_space<vmem>>, vector<16xf32>,
      tpu.vector_store %arg7[%swap3A_274, %swap3A_275], %gather3A_270 {strides = array<i32>} : memref<16x128xf32, #tpu.memory_space<vmem>>, vector<16xf32>,
      %add3A_277 = arith.constant 10 : i32
      %add3A_278 = vector.broadcast %add3A_277 : i32 to vector<16xi32>
      %add3A_279 = arith.addi %mul3A_178, %add3A_278 : vector<16xi32>
      %gather3A_280 = tpu.vector_load_idx %arg5[%add3A_279] : memref<1024xf32, #tpu.memory_space<vmem>>[vector<16xi32>], vector<16xf32>,
      %mul3A_281 = arith.constant 16 : i32
      %mul3A_282 = arith.muli %scan3A_61, %mul3A_281 : i32
      %swap3A_283 = arith.constant 10 : i32
      %swap3A_284 = arith.index_cast %swap3A_283 : i32 to index
      %swap3A_285 = arith.index_cast %mul3A_282 : i32 to index
      %swap3A_286 = tpu.vector_load %arg7[%swap3A_284, %swap3A_285] {strides = array<i32>} : memref<16x128xf32, #tpu.memory_space<vmem>>, vector<16xf32>,
      tpu.vector_store %arg7[%swap3A_284, %swap3A_285], %gather3A_280 {strides = array<i32>} : memref<16x128xf32, #tpu.memory_space<vmem>>, vector<16xf32>,
      %add3A_287 = arith.constant 11 : i32
      %add3A_288 = vector.broadcast %add3A_287 : i32 to vector<16xi32>
      %add3A_289 = arith.addi %mul3A_178, %add3A_288 : vector<16xi32>
      %gather3A_290 = tpu.vector_load_idx %arg5[%add3A_289] : memref<1024xf32, #tpu.memory_space<vmem>>[vector<16xi32>], vector<16xf32>,
      %mul3A_291 = arith.constant 16 : i32
      %mul3A_292 = arith.muli %scan3A_61, %mul3A_291 : i32
      %swap3A_293 = arith.constant 11 : i32
      %swap3A_294 = arith.index_cast %swap3A_293 : i32 to index
      %swap3A_295 = arith.index_cast %mul3A_292 : i32 to index
      %swap3A_296 = tpu.vector_load %arg7[%swap3A_294, %swap3A_295] {strides = array<i32>} : memref<16x128xf32, #tpu.memory_space<vmem>>, vector<16xf32>,
      tpu.vector_store %arg7[%swap3A_294, %swap3A_295], %gather3A_290 {strides = array<i32>} : memref<16x128xf32, #tpu.memory_space<vmem>>, vector<16xf32>,
      %add3A_297 = arith.constant 12 : i32
      %add3A_298 = vector.broadcast %add3A_297 : i32 to vector<16xi32>
      %add3A_299 = arith.addi %mul3A_178, %add3A_298 : vector<16xi32>
      %gather3A_300 = tpu.vector_load_idx %arg5[%add3A_299] : memref<1024xf32, #tpu.memory_space<vmem>>[vector<16xi32>], vector<16xf32>,
      %mul3A_301 = arith.constant 16 : i32
      %mul3A_302 = arith.muli %scan3A_61, %mul3A_301 : i32
      %swap3A_303 = arith.constant 12 : i32
      %swap3A_304 = arith.index_cast %swap3A_303 : i32 to index
      %swap3A_305 = arith.index_cast %mul3A_302 : i32 to index
      %swap3A_306 = tpu.vector_load %arg7[%swap3A_304, %swap3A_305] {strides = array<i32>} : memref<16x128xf32, #tpu.memory_space<vmem>>, vector<16xf32>,
      tpu.vector_store %arg7[%swap3A_304, %swap3A_305], %gather3A_300 {strides = array<i32>} : memref<16x128xf32, #tpu.memory_space<vmem>>, vector<16xf32>,
      %add3A_307 = arith.constant 13 : i32
      %add3A_308 = vector.broadcast %add3A_307 : i32 to vector<16xi32>
      %add3A_309 = arith.addi %mul3A_178, %add3A_308 : vector<16xi32>
      %gather3A_310 = tpu.vector_load_idx %arg5[%add3A_309] : memref<1024xf32, #tpu.memory_space<vmem>>[vector<16xi32>], vector<16xf32>,
      %mul3A_311 = arith.constant 16 : i32
      %mul3A_312 = arith.muli %scan3A_61, %mul3A_311 : i32
      %swap3A_313 = arith.constant 13 : i32
      %swap3A_314 = arith.index_cast %swap3A_313 : i32 to index
      %swap3A_315 = arith.index_cast %mul3A_312 : i32 to index
      %swap3A_316 = tpu.vector_load %arg7[%swap3A_314, %swap3A_315] {strides = array<i32>} : memref<16x128xf32, #tpu.memory_space<vmem>>, vector<16xf32>,
      tpu.vector_store %arg7[%swap3A_314, %swap3A_315], %gather3A_310 {strides = array<i32>} : memref<16x128xf32, #tpu.memory_space<vmem>>, vector<16xf32>,
      %add3A_317 = arith.constant 14 : i32
      %add3A_318 = vector.broadcast %add3A_317 : i32 to vector<16xi32>
      %add3A_319 = arith.addi %mul3A_178, %add3A_318 : vector<16xi32>
      %gather3A_320 = tpu.vector_load_idx %arg5[%add3A_319] : memref<1024xf32, #tpu.memory_space<vmem>>[vector<16xi32>], vector<16xf32>,
      %mul3A_321 = arith.constant 16 : i32
      %mul3A_322 = arith.muli %scan3A_61, %mul3A_321 : i32
      %swap3A_323 = arith.constant 14 : i32
      %swap3A_324 = arith.index_cast %swap3A_323 : i32 to index
      %swap3A_325 = arith.index_cast %mul3A_322 : i32 to index
      %swap3A_326 = tpu.vector_load %arg7[%swap3A_324, %swap3A_325] {strides = array<i32>} : memref<16x128xf32, #tpu.memory_space<vmem>>, vector<16xf32>,
      tpu.vector_store %arg7[%swap3A_324, %swap3A_325], %gather3A_320 {strides = array<i32>} : memref<16x128xf32, #tpu.memory_space<vmem>>, vector<16xf32>,
      %add3A_327 = arith.constant 15 : i32
      %add3A_328 = vector.broadcast %add3A_327 : i32 to vector<16xi32>
      %add3A_329 = arith.addi %mul3A_178, %add3A_328 : vector<16xi32>
      %gather3A_330 = tpu.vector_load_idx %arg5[%add3A_329] : memref<1024xf32, #tpu.memory_space<vmem>>[vector<16xi32>], vector<16xf32>,
      %mul3A_331 = arith.constant 16 : i32
      %mul3A_332 = arith.muli %scan3A_61, %mul3A_331 : i32
      %swap3A_333 = arith.constant 15 : i32
      %swap3A_334 = arith.index_cast %swap3A_333 : i32 to index
      %swap3A_335 = arith.index_cast %mul3A_332 : i32 to index
      %swap3A_336 = tpu.vector_load %arg7[%swap3A_334, %swap3A_335] {strides = array<i32>} : memref<16x128xf32, #tpu.memory_space<vmem>>, vector<16xf32>,
      tpu.vector_store %arg7[%swap3A_334, %swap3A_335], %gather3A_330 {strides = array<i32>} : memref<16x128xf32, #tpu.memory_space<vmem>>, vector<16xf32>,
    }
    %scan3A_13 = arith.constant 8 : i32
    %add3A_14 = arith.constant 0 : i32
    %add3A_15 = arith.addi %add3A_14, %mul3A_2 : i32
    %run_scoped3A = arith.constant 0 : i32
    "tpu.region"() ({
      %run_scoped3A_61 = tpu.sem_alloc : memref<!tpu.dma_semaphore, #tpu.memory_space<semaphore_mem>>
      %dma_start3A = arith.constant 0 : i32
      %dma_start3A_62 = tpu.memref_slice %arg7[%run_scoped3A, %dma_start3A] : memref<16x128xf32, #tpu.memory_space<vmem>> -> memref<1x128xf32, #tpu.memory_space<vmem>>
      %dma_start3A_63 = tpu.memref_squeeze %dma_start3A_62 : memref<1x128xf32, #tpu.memory_space<vmem>> -> memref<128xf32, #tpu.memory_space<vmem>>
      %dma_start3A_64 = tpu.memref_slice %arg4[%add3A_15] : memref<65536xf32, #tpu.memory_space<hbm>> -> memref<128xf32, #tpu.memory_space<hbm>>
      %dma_start3A_65 = tpu.memref_slice %arg4[%add3A_15] : memref<65536xf32, #tpu.memory_space<hbm>> -> memref<128xf32, #tpu.memory_space<hbm>>
      %dma_start3A_66 = arith.constant 0 : i32
      %dma_start3A_67 = tpu.memref_slice %arg7[%run_scoped3A, %dma_start3A_66] : memref<16x128xf32, #tpu.memory_space<vmem>> -> memref<1x128xf32, #tpu.memory_space<vmem>>
      %dma_start3A_68 = tpu.memref_squeeze %dma_start3A_67 : memref<1x128xf32, #tpu.memory_space<vmem>> -> memref<128xf32, #tpu.memory_space<vmem>>
      tpu.enqueue_dma source(%dma_start3A_68 : memref<128xf32, #tpu.memory_space<vmem>>) target(%dma_start3A_65 : memref<128xf32, #tpu.memory_space<hbm>>) target_semaphore(%run_scoped3A_61 : memref<!tpu.dma_semaphore, #tpu.memory_space<semaphore_mem>>)
      %dma_wait3A = arith.constant 0 : i32
      %dma_wait3A_69 = tpu.memref_slice %arg7[%run_scoped3A, %dma_wait3A] : memref<16x128xf32, #tpu.memory_space<vmem>> -> memref<1x128xf32, #tpu.memory_space<vmem>>
      %dma_wait3A_70 = tpu.memref_squeeze %dma_wait3A_69 : memref<1x128xf32, #tpu.memory_space<vmem>> -> memref<128xf32, #tpu.memory_space<vmem>>
      %dma_wait3A_71 = tpu.memref_slice %arg4[%add3A_15] : memref<65536xf32, #tpu.memory_space<hbm>> -> memref<128xf32, #tpu.memory_space<hbm>>
      %dma_wait3A_72 = tpu.memref_slice %arg4[%add3A_15] : memref<65536xf32, #tpu.memory_space<hbm>> -> memref<128xf32, #tpu.memory_space<hbm>>
      %dma_wait3A_73 = arith.constant 0 : i32
      %dma_wait3A_74 = tpu.memref_slice %arg7[%run_scoped3A, %dma_wait3A_73] : memref<16x128xf32, #tpu.memory_space<vmem>> -> memref<1x128xf32, #tpu.memory_space<vmem>>
      %dma_wait3A_75 = tpu.memref_squeeze %dma_wait3A_74 : memref<1x128xf32, #tpu.memory_space<vmem>> -> memref<128xf32, #tpu.memory_space<vmem>>
      tpu.wait_dma2 semaphore(%run_scoped3A_61 : memref<!tpu.dma_semaphore, #tpu.memory_space<semaphore_mem>>) src(%dma_wait3A_75 : memref<128xf32, #tpu.memory_space<vmem>>) dst(%dma_wait3A_72 : memref<128xf32, #tpu.memory_space<hbm>>)
      tpu.yield
    }) : () -> ()
    %add3A_16 = arith.constant 4096 : i32
    %add3A_17 = arith.addi %add3A_16, %mul3A_2 : i32
    %run_scoped3A_18 = arith.constant 1 : i32
    "tpu.region"() ({
      %run_scoped3A_61 = tpu.sem_alloc : memref<!tpu.dma_semaphore, #tpu.memory_space<semaphore_mem>>
      %dma_start3A = arith.constant 0 : i32
      %dma_start3A_62 = tpu.memref_slice %arg7[%run_scoped3A_18, %dma_start3A] : memref<16x128xf32, #tpu.memory_space<vmem>> -> memref<1x128xf32, #tpu.memory_space<vmem>>
      %dma_start3A_63 = tpu.memref_squeeze %dma_start3A_62 : memref<1x128xf32, #tpu.memory_space<vmem>> -> memref<128xf32, #tpu.memory_space<vmem>>
      %dma_start3A_64 = tpu.memref_slice %arg4[%add3A_17] : memref<65536xf32, #tpu.memory_space<hbm>> -> memref<128xf32, #tpu.memory_space<hbm>>
      %dma_start3A_65 = tpu.memref_slice %arg4[%add3A_17] : memref<65536xf32, #tpu.memory_space<hbm>> -> memref<128xf32, #tpu.memory_space<hbm>>
      %dma_start3A_66 = arith.constant 0 : i32
      %dma_start3A_67 = tpu.memref_slice %arg7[%run_scoped3A_18, %dma_start3A_66] : memref<16x128xf32, #tpu.memory_space<vmem>> -> memref<1x128xf32, #tpu.memory_space<vmem>>
      %dma_start3A_68 = tpu.memref_squeeze %dma_start3A_67 : memref<1x128xf32, #tpu.memory_space<vmem>> -> memref<128xf32, #tpu.memory_space<vmem>>
      tpu.enqueue_dma source(%dma_start3A_68 : memref<128xf32, #tpu.memory_space<vmem>>) target(%dma_start3A_65 : memref<128xf32, #tpu.memory_space<hbm>>) target_semaphore(%run_scoped3A_61 : memref<!tpu.dma_semaphore, #tpu.memory_space<semaphore_mem>>)
      %dma_wait3A = arith.constant 0 : i32
      %dma_wait3A_69 = tpu.memref_slice %arg7[%run_scoped3A_18, %dma_wait3A] : memref<16x128xf32, #tpu.memory_space<vmem>> -> memref<1x128xf32, #tpu.memory_space<vmem>>
      %dma_wait3A_70 = tpu.memref_squeeze %dma_wait3A_69 : memref<1x128xf32, #tpu.memory_space<vmem>> -> memref<128xf32, #tpu.memory_space<vmem>>
      %dma_wait3A_71 = tpu.memref_slice %arg4[%add3A_17] : memref<65536xf32, #tpu.memory_space<hbm>> -> memref<128xf32, #tpu.memory_space<hbm>>
      %dma_wait3A_72 = tpu.memref_slice %arg4[%add3A_17] : memref<65536xf32, #tpu.memory_space<hbm>> -> memref<128xf32, #tpu.memory_space<hbm>>
      %dma_wait3A_73 = arith.constant 0 : i32
      %dma_wait3A_74 = tpu.memref_slice %arg7[%run_scoped3A_18, %dma_wait3A_73] : memref<16x128xf32, #tpu.memory_space<vmem>> -> memref<1x128xf32, #tpu.memory_space<vmem>>
      %dma_wait3A_75 = tpu.memref_squeeze %dma_wait3A_74 : memref<1x128xf32, #tpu.memory_space<vmem>> -> memref<128xf32, #tpu.memory_space<vmem>>
      tpu.wait_dma2 semaphore(%run_scoped3A_61 : memref<!tpu.dma_semaphore, #tpu.memory_space<semaphore_mem>>) src(%dma_wait3A_75 : memref<128xf32, #tpu.memory_space<vmem>>) dst(%dma_wait3A_72 : memref<128xf32, #tpu.memory_space<hbm>>)
      tpu.yield
    }) : () -> ()
    %add3A_19 = arith.constant 8192 : i32
    %add3A_20 = arith.addi %add3A_19, %mul3A_2 : i32
    %run_scoped3A_21 = arith.constant 2 : i32
    "tpu.region"() ({
      %run_scoped3A_61 = tpu.sem_alloc : memref<!tpu.dma_semaphore, #tpu.memory_space<semaphore_mem>>
      %dma_start3A = arith.constant 0 : i32
      %dma_start3A_62 = tpu.memref_slice %arg7[%run_scoped3A_21, %dma_start3A] : memref<16x128xf32, #tpu.memory_space<vmem>> -> memref<1x128xf32, #tpu.memory_space<vmem>>
      %dma_start3A_63 = tpu.memref_squeeze %dma_start3A_62 : memref<1x128xf32, #tpu.memory_space<vmem>> -> memref<128xf32, #tpu.memory_space<vmem>>
      %dma_start3A_64 = tpu.memref_slice %arg4[%add3A_20] : memref<65536xf32, #tpu.memory_space<hbm>> -> memref<128xf32, #tpu.memory_space<hbm>>
      %dma_start3A_65 = tpu.memref_slice %arg4[%add3A_20] : memref<65536xf32, #tpu.memory_space<hbm>> -> memref<128xf32, #tpu.memory_space<hbm>>
      %dma_start3A_66 = arith.constant 0 : i32
      %dma_start3A_67 = tpu.memref_slice %arg7[%run_scoped3A_21, %dma_start3A_66] : memref<16x128xf32, #tpu.memory_space<vmem>> -> memref<1x128xf32, #tpu.memory_space<vmem>>
      %dma_start3A_68 = tpu.memref_squeeze %dma_start3A_67 : memref<1x128xf32, #tpu.memory_space<vmem>> -> memref<128xf32, #tpu.memory_space<vmem>>
      tpu.enqueue_dma source(%dma_start3A_68 : memref<128xf32, #tpu.memory_space<vmem>>) target(%dma_start3A_65 : memref<128xf32, #tpu.memory_space<hbm>>) target_semaphore(%run_scoped3A_61 : memref<!tpu.dma_semaphore, #tpu.memory_space<semaphore_mem>>)
      %dma_wait3A = arith.constant 0 : i32
      %dma_wait3A_69 = tpu.memref_slice %arg7[%run_scoped3A_21, %dma_wait3A] : memref<16x128xf32, #tpu.memory_space<vmem>> -> memref<1x128xf32, #tpu.memory_space<vmem>>
      %dma_wait3A_70 = tpu.memref_squeeze %dma_wait3A_69 : memref<1x128xf32, #tpu.memory_space<vmem>> -> memref<128xf32, #tpu.memory_space<vmem>>
      %dma_wait3A_71 = tpu.memref_slice %arg4[%add3A_20] : memref<65536xf32, #tpu.memory_space<hbm>> -> memref<128xf32, #tpu.memory_space<hbm>>
      %dma_wait3A_72 = tpu.memref_slice %arg4[%add3A_20] : memref<65536xf32, #tpu.memory_space<hbm>> -> memref<128xf32, #tpu.memory_space<hbm>>
      %dma_wait3A_73 = arith.constant 0 : i32
      %dma_wait3A_74 = tpu.memref_slice %arg7[%run_scoped3A_21, %dma_wait3A_73] : memref<16x128xf32, #tpu.memory_space<vmem>> -> memref<1x128xf32, #tpu.memory_space<vmem>>
      %dma_wait3A_75 = tpu.memref_squeeze %dma_wait3A_74 : memref<1x128xf32, #tpu.memory_space<vmem>> -> memref<128xf32, #tpu.memory_space<vmem>>
      tpu.wait_dma2 semaphore(%run_scoped3A_61 : memref<!tpu.dma_semaphore, #tpu.memory_space<semaphore_mem>>) src(%dma_wait3A_75 : memref<128xf32, #tpu.memory_space<vmem>>) dst(%dma_wait3A_72 : memref<128xf32, #tpu.memory_space<hbm>>)
      tpu.yield
    }) : () -> ()
    %add3A_22 = arith.constant 12288 : i32
    %add3A_23 = arith.addi %add3A_22, %mul3A_2 : i32
    %run_scoped3A_24 = arith.constant 3 : i32
    "tpu.region"() ({
      %run_scoped3A_61 = tpu.sem_alloc : memref<!tpu.dma_semaphore, #tpu.memory_space<semaphore_mem>>
      %dma_start3A = arith.constant 0 : i32
      %dma_start3A_62 = tpu.memref_slice %arg7[%run_scoped3A_24, %dma_start3A] : memref<16x128xf32, #tpu.memory_space<vmem>> -> memref<1x128xf32, #tpu.memory_space<vmem>>
      %dma_start3A_63 = tpu.memref_squeeze %dma_start3A_62 : memref<1x128xf32, #tpu.memory_space<vmem>> -> memref<128xf32, #tpu.memory_space<vmem>>
      %dma_start3A_64 = tpu.memref_slice %arg4[%add3A_23] : memref<65536xf32, #tpu.memory_space<hbm>> -> memref<128xf32, #tpu.memory_space<hbm>>
      %dma_start3A_65 = tpu.memref_slice %arg4[%add3A_23] : memref<65536xf32, #tpu.memory_space<hbm>> -> memref<128xf32, #tpu.memory_space<hbm>>
      %dma_start3A_66 = arith.constant 0 : i32
      %dma_start3A_67 = tpu.memref_slice %arg7[%run_scoped3A_24, %dma_start3A_66] : memref<16x128xf32, #tpu.memory_space<vmem>> -> memref<1x128xf32, #tpu.memory_space<vmem>>
      %dma_start3A_68 = tpu.memref_squeeze %dma_start3A_67 : memref<1x128xf32, #tpu.memory_space<vmem>> -> memref<128xf32, #tpu.memory_space<vmem>>
      tpu.enqueue_dma source(%dma_start3A_68 : memref<128xf32, #tpu.memory_space<vmem>>) target(%dma_start3A_65 : memref<128xf32, #tpu.memory_space<hbm>>) target_semaphore(%run_scoped3A_61 : memref<!tpu.dma_semaphore, #tpu.memory_space<semaphore_mem>>)
      %dma_wait3A = arith.constant 0 : i32
      %dma_wait3A_69 = tpu.memref_slice %arg7[%run_scoped3A_24, %dma_wait3A] : memref<16x128xf32, #tpu.memory_space<vmem>> -> memref<1x128xf32, #tpu.memory_space<vmem>>
      %dma_wait3A_70 = tpu.memref_squeeze %dma_wait3A_69 : memref<1x128xf32, #tpu.memory_space<vmem>> -> memref<128xf32, #tpu.memory_space<vmem>>
      %dma_wait3A_71 = tpu.memref_slice %arg4[%add3A_23] : memref<65536xf32, #tpu.memory_space<hbm>> -> memref<128xf32, #tpu.memory_space<hbm>>
      %dma_wait3A_72 = tpu.memref_slice %arg4[%add3A_23] : memref<65536xf32, #tpu.memory_space<hbm>> -> memref<128xf32, #tpu.memory_space<hbm>>
      %dma_wait3A_73 = arith.constant 0 : i32
      %dma_wait3A_74 = tpu.memref_slice %arg7[%run_scoped3A_24, %dma_wait3A_73] : memref<16x128xf32, #tpu.memory_space<vmem>> -> memref<1x128xf32, #tpu.memory_space<vmem>>
      %dma_wait3A_75 = tpu.memref_squeeze %dma_wait3A_74 : memref<1x128xf32, #tpu.memory_space<vmem>> -> memref<128xf32, #tpu.memory_space<vmem>>
      tpu.wait_dma2 semaphore(%run_scoped3A_61 : memref<!tpu.dma_semaphore, #tpu.memory_space<semaphore_mem>>) src(%dma_wait3A_75 : memref<128xf32, #tpu.memory_space<vmem>>) dst(%dma_wait3A_72 : memref<128xf32, #tpu.memory_space<hbm>>)
      tpu.yield
    }) : () -> ()
    %add3A_25 = arith.constant 16384 : i32
    %add3A_26 = arith.addi %add3A_25, %mul3A_2 : i32
    %run_scoped3A_27 = arith.constant 4 : i32
    "tpu.region"() ({
      %run_scoped3A_61 = tpu.sem_alloc : memref<!tpu.dma_semaphore, #tpu.memory_space<semaphore_mem>>
      %dma_start3A = arith.constant 0 : i32
      %dma_start3A_62 = tpu.memref_slice %arg7[%run_scoped3A_27, %dma_start3A] : memref<16x128xf32, #tpu.memory_space<vmem>> -> memref<1x128xf32, #tpu.memory_space<vmem>>
      %dma_start3A_63 = tpu.memref_squeeze %dma_start3A_62 : memref<1x128xf32, #tpu.memory_space<vmem>> -> memref<128xf32, #tpu.memory_space<vmem>>
      %dma_start3A_64 = tpu.memref_slice %arg4[%add3A_26] : memref<65536xf32, #tpu.memory_space<hbm>> -> memref<128xf32, #tpu.memory_space<hbm>>
      %dma_start3A_65 = tpu.memref_slice %arg4[%add3A_26] : memref<65536xf32, #tpu.memory_space<hbm>> -> memref<128xf32, #tpu.memory_space<hbm>>
      %dma_start3A_66 = arith.constant 0 : i32
      %dma_start3A_67 = tpu.memref_slice %arg7[%run_scoped3A_27, %dma_start3A_66] : memref<16x128xf32, #tpu.memory_space<vmem>> -> memref<1x128xf32, #tpu.memory_space<vmem>>
      %dma_start3A_68 = tpu.memref_squeeze %dma_start3A_67 : memref<1x128xf32, #tpu.memory_space<vmem>> -> memref<128xf32, #tpu.memory_space<vmem>>
      tpu.enqueue_dma source(%dma_start3A_68 : memref<128xf32, #tpu.memory_space<vmem>>) target(%dma_start3A_65 : memref<128xf32, #tpu.memory_space<hbm>>) target_semaphore(%run_scoped3A_61 : memref<!tpu.dma_semaphore, #tpu.memory_space<semaphore_mem>>)
      %dma_wait3A = arith.constant 0 : i32
      %dma_wait3A_69 = tpu.memref_slice %arg7[%run_scoped3A_27, %dma_wait3A] : memref<16x128xf32, #tpu.memory_space<vmem>> -> memref<1x128xf32, #tpu.memory_space<vmem>>
      %dma_wait3A_70 = tpu.memref_squeeze %dma_wait3A_69 : memref<1x128xf32, #tpu.memory_space<vmem>> -> memref<128xf32, #tpu.memory_space<vmem>>
      %dma_wait3A_71 = tpu.memref_slice %arg4[%add3A_26] : memref<65536xf32, #tpu.memory_space<hbm>> -> memref<128xf32, #tpu.memory_space<hbm>>
      %dma_wait3A_72 = tpu.memref_slice %arg4[%add3A_26] : memref<65536xf32, #tpu.memory_space<hbm>> -> memref<128xf32, #tpu.memory_space<hbm>>
      %dma_wait3A_73 = arith.constant 0 : i32
      %dma_wait3A_74 = tpu.memref_slice %arg7[%run_scoped3A_27, %dma_wait3A_73] : memref<16x128xf32, #tpu.memory_space<vmem>> -> memref<1x128xf32, #tpu.memory_space<vmem>>
      %dma_wait3A_75 = tpu.memref_squeeze %dma_wait3A_74 : memref<1x128xf32, #tpu.memory_space<vmem>> -> memref<128xf32, #tpu.memory_space<vmem>>
      tpu.wait_dma2 semaphore(%run_scoped3A_61 : memref<!tpu.dma_semaphore, #tpu.memory_space<semaphore_mem>>) src(%dma_wait3A_75 : memref<128xf32, #tpu.memory_space<vmem>>) dst(%dma_wait3A_72 : memref<128xf32, #tpu.memory_space<hbm>>)
      tpu.yield
    }) : () -> ()
    %add3A_28 = arith.constant 20480 : i32
    %add3A_29 = arith.addi %add3A_28, %mul3A_2 : i32
    %run_scoped3A_30 = arith.constant 5 : i32
    "tpu.region"() ({
      %run_scoped3A_61 = tpu.sem_alloc : memref<!tpu.dma_semaphore, #tpu.memory_space<semaphore_mem>>
      %dma_start3A = arith.constant 0 : i32
      %dma_start3A_62 = tpu.memref_slice %arg7[%run_scoped3A_30, %dma_start3A] : memref<16x128xf32, #tpu.memory_space<vmem>> -> memref<1x128xf32, #tpu.memory_space<vmem>>
      %dma_start3A_63 = tpu.memref_squeeze %dma_start3A_62 : memref<1x128xf32, #tpu.memory_space<vmem>> -> memref<128xf32, #tpu.memory_space<vmem>>
      %dma_start3A_64 = tpu.memref_slice %arg4[%add3A_29] : memref<65536xf32, #tpu.memory_space<hbm>> -> memref<128xf32, #tpu.memory_space<hbm>>
      %dma_start3A_65 = tpu.memref_slice %arg4[%add3A_29] : memref<65536xf32, #tpu.memory_space<hbm>> -> memref<128xf32, #tpu.memory_space<hbm>>
      %dma_start3A_66 = arith.constant 0 : i32
      %dma_start3A_67 = tpu.memref_slice %arg7[%run_scoped3A_30, %dma_start3A_66] : memref<16x128xf32, #tpu.memory_space<vmem>> -> memref<1x128xf32, #tpu.memory_space<vmem>>
      %dma_start3A_68 = tpu.memref_squeeze %dma_start3A_67 : memref<1x128xf32, #tpu.memory_space<vmem>> -> memref<128xf32, #tpu.memory_space<vmem>>
      tpu.enqueue_dma source(%dma_start3A_68 : memref<128xf32, #tpu.memory_space<vmem>>) target(%dma_start3A_65 : memref<128xf32, #tpu.memory_space<hbm>>) target_semaphore(%run_scoped3A_61 : memref<!tpu.dma_semaphore, #tpu.memory_space<semaphore_mem>>)
      %dma_wait3A = arith.constant 0 : i32
      %dma_wait3A_69 = tpu.memref_slice %arg7[%run_scoped3A_30, %dma_wait3A] : memref<16x128xf32, #tpu.memory_space<vmem>> -> memref<1x128xf32, #tpu.memory_space<vmem>>
      %dma_wait3A_70 = tpu.memref_squeeze %dma_wait3A_69 : memref<1x128xf32, #tpu.memory_space<vmem>> -> memref<128xf32, #tpu.memory_space<vmem>>
      %dma_wait3A_71 = tpu.memref_slice %arg4[%add3A_29] : memref<65536xf32, #tpu.memory_space<hbm>> -> memref<128xf32, #tpu.memory_space<hbm>>
      %dma_wait3A_72 = tpu.memref_slice %arg4[%add3A_29] : memref<65536xf32, #tpu.memory_space<hbm>> -> memref<128xf32, #tpu.memory_space<hbm>>
      %dma_wait3A_73 = arith.constant 0 : i32
      %dma_wait3A_74 = tpu.memref_slice %arg7[%run_scoped3A_30, %dma_wait3A_73] : memref<16x128xf32, #tpu.memory_space<vmem>> -> memref<1x128xf32, #tpu.memory_space<vmem>>
      %dma_wait3A_75 = tpu.memref_squeeze %dma_wait3A_74 : memref<1x128xf32, #tpu.memory_space<vmem>> -> memref<128xf32, #tpu.memory_space<vmem>>
      tpu.wait_dma2 semaphore(%run_scoped3A_61 : memref<!tpu.dma_semaphore, #tpu.memory_space<semaphore_mem>>) src(%dma_wait3A_75 : memref<128xf32, #tpu.memory_space<vmem>>) dst(%dma_wait3A_72 : memref<128xf32, #tpu.memory_space<hbm>>)
      tpu.yield
    }) : () -> ()
    %add3A_31 = arith.constant 24576 : i32
    %add3A_32 = arith.addi %add3A_31, %mul3A_2 : i32
    %run_scoped3A_33 = arith.constant 6 : i32
    "tpu.region"() ({
      %run_scoped3A_61 = tpu.sem_alloc : memref<!tpu.dma_semaphore, #tpu.memory_space<semaphore_mem>>
      %dma_start3A = arith.constant 0 : i32
      %dma_start3A_62 = tpu.memref_slice %arg7[%run_scoped3A_33, %dma_start3A] : memref<16x128xf32, #tpu.memory_space<vmem>> -> memref<1x128xf32, #tpu.memory_space<vmem>>
      %dma_start3A_63 = tpu.memref_squeeze %dma_start3A_62 : memref<1x128xf32, #tpu.memory_space<vmem>> -> memref<128xf32, #tpu.memory_space<vmem>>
      %dma_start3A_64 = tpu.memref_slice %arg4[%add3A_32] : memref<65536xf32, #tpu.memory_space<hbm>> -> memref<128xf32, #tpu.memory_space<hbm>>
      %dma_start3A_65 = tpu.memref_slice %arg4[%add3A_32] : memref<65536xf32, #tpu.memory_space<hbm>> -> memref<128xf32, #tpu.memory_space<hbm>>
      %dma_start3A_66 = arith.constant 0 : i32
      %dma_start3A_67 = tpu.memref_slice %arg7[%run_scoped3A_33, %dma_start3A_66] : memref<16x128xf32, #tpu.memory_space<vmem>> -> memref<1x128xf32, #tpu.memory_space<vmem>>
      %dma_start3A_68 = tpu.memref_squeeze %dma_start3A_67 : memref<1x128xf32, #tpu.memory_space<vmem>> -> memref<128xf32, #tpu.memory_space<vmem>>
      tpu.enqueue_dma source(%dma_start3A_68 : memref<128xf32, #tpu.memory_space<vmem>>) target(%dma_start3A_65 : memref<128xf32, #tpu.memory_space<hbm>>) target_semaphore(%run_scoped3A_61 : memref<!tpu.dma_semaphore, #tpu.memory_space<semaphore_mem>>)
      %dma_wait3A = arith.constant 0 : i32
      %dma_wait3A_69 = tpu.memref_slice %arg7[%run_scoped3A_33, %dma_wait3A] : memref<16x128xf32, #tpu.memory_space<vmem>> -> memref<1x128xf32, #tpu.memory_space<vmem>>
      %dma_wait3A_70 = tpu.memref_squeeze %dma_wait3A_69 : memref<1x128xf32, #tpu.memory_space<vmem>> -> memref<128xf32, #tpu.memory_space<vmem>>
      %dma_wait3A_71 = tpu.memref_slice %arg4[%add3A_32] : memref<65536xf32, #tpu.memory_space<hbm>> -> memref<128xf32, #tpu.memory_space<hbm>>
      %dma_wait3A_72 = tpu.memref_slice %arg4[%add3A_32] : memref<65536xf32, #tpu.memory_space<hbm>> -> memref<128xf32, #tpu.memory_space<hbm>>
      %dma_wait3A_73 = arith.constant 0 : i32
      %dma_wait3A_74 = tpu.memref_slice %arg7[%run_scoped3A_33, %dma_wait3A_73] : memref<16x128xf32, #tpu.memory_space<vmem>> -> memref<1x128xf32, #tpu.memory_space<vmem>>
      %dma_wait3A_75 = tpu.memref_squeeze %dma_wait3A_74 : memref<1x128xf32, #tpu.memory_space<vmem>> -> memref<128xf32, #tpu.memory_space<vmem>>
      tpu.wait_dma2 semaphore(%run_scoped3A_61 : memref<!tpu.dma_semaphore, #tpu.memory_space<semaphore_mem>>) src(%dma_wait3A_75 : memref<128xf32, #tpu.memory_space<vmem>>) dst(%dma_wait3A_72 : memref<128xf32, #tpu.memory_space<hbm>>)
      tpu.yield
    }) : () -> ()
    %add3A_34 = arith.constant 28672 : i32
    %add3A_35 = arith.addi %add3A_34, %mul3A_2 : i32
    %run_scoped3A_36 = arith.constant 7 : i32
    "tpu.region"() ({
      %run_scoped3A_61 = tpu.sem_alloc : memref<!tpu.dma_semaphore, #tpu.memory_space<semaphore_mem>>
      %dma_start3A = arith.constant 0 : i32
      %dma_start3A_62 = tpu.memref_slice %arg7[%run_scoped3A_36, %dma_start3A] : memref<16x128xf32, #tpu.memory_space<vmem>> -> memref<1x128xf32, #tpu.memory_space<vmem>>
      %dma_start3A_63 = tpu.memref_squeeze %dma_start3A_62 : memref<1x128xf32, #tpu.memory_space<vmem>> -> memref<128xf32, #tpu.memory_space<vmem>>
      %dma_start3A_64 = tpu.memref_slice %arg4[%add3A_35] : memref<65536xf32, #tpu.memory_space<hbm>> -> memref<128xf32, #tpu.memory_space<hbm>>
      %dma_start3A_65 = tpu.memref_slice %arg4[%add3A_35] : memref<65536xf32, #tpu.memory_space<hbm>> -> memref<128xf32, #tpu.memory_space<hbm>>
      %dma_start3A_66 = arith.constant 0 : i32
      %dma_start3A_67 = tpu.memref_slice %arg7[%run_scoped3A_36, %dma_start3A_66] : memref<16x128xf32, #tpu.memory_space<vmem>> -> memref<1x128xf32, #tpu.memory_space<vmem>>
      %dma_start3A_68 = tpu.memref_squeeze %dma_start3A_67 : memref<1x128xf32, #tpu.memory_space<vmem>> -> memref<128xf32, #tpu.memory_space<vmem>>
      tpu.enqueue_dma source(%dma_start3A_68 : memref<128xf32, #tpu.memory_space<vmem>>) target(%dma_start3A_65 : memref<128xf32, #tpu.memory_space<hbm>>) target_semaphore(%run_scoped3A_61 : memref<!tpu.dma_semaphore, #tpu.memory_space<semaphore_mem>>)
      %dma_wait3A = arith.constant 0 : i32
      %dma_wait3A_69 = tpu.memref_slice %arg7[%run_scoped3A_36, %dma_wait3A] : memref<16x128xf32, #tpu.memory_space<vmem>> -> memref<1x128xf32, #tpu.memory_space<vmem>>
      %dma_wait3A_70 = tpu.memref_squeeze %dma_wait3A_69 : memref<1x128xf32, #tpu.memory_space<vmem>> -> memref<128xf32, #tpu.memory_space<vmem>>
      %dma_wait3A_71 = tpu.memref_slice %arg4[%add3A_35] : memref<65536xf32, #tpu.memory_space<hbm>> -> memref<128xf32, #tpu.memory_space<hbm>>
      %dma_wait3A_72 = tpu.memref_slice %arg4[%add3A_35] : memref<65536xf32, #tpu.memory_space<hbm>> -> memref<128xf32, #tpu.memory_space<hbm>>
      %dma_wait3A_73 = arith.constant 0 : i32
      %dma_wait3A_74 = tpu.memref_slice %arg7[%run_scoped3A_36, %dma_wait3A_73] : memref<16x128xf32, #tpu.memory_space<vmem>> -> memref<1x128xf32, #tpu.memory_space<vmem>>
      %dma_wait3A_75 = tpu.memref_squeeze %dma_wait3A_74 : memref<1x128xf32, #tpu.memory_space<vmem>> -> memref<128xf32, #tpu.memory_space<vmem>>
      tpu.wait_dma2 semaphore(%run_scoped3A_61 : memref<!tpu.dma_semaphore, #tpu.memory_space<semaphore_mem>>) src(%dma_wait3A_75 : memref<128xf32, #tpu.memory_space<vmem>>) dst(%dma_wait3A_72 : memref<128xf32, #tpu.memory_space<hbm>>)
      tpu.yield
    }) : () -> ()
    %add3A_37 = arith.constant 32768 : i32
    %add3A_38 = arith.addi %add3A_37, %mul3A_2 : i32
    %run_scoped3A_39 = arith.constant 8 : i32
    "tpu.region"() ({
      %run_scoped3A_61 = tpu.sem_alloc : memref<!tpu.dma_semaphore, #tpu.memory_space<semaphore_mem>>
      %dma_start3A = arith.constant 0 : i32
      %dma_start3A_62 = tpu.memref_slice %arg7[%run_scoped3A_39, %dma_start3A] : memref<16x128xf32, #tpu.memory_space<vmem>> -> memref<1x128xf32, #tpu.memory_space<vmem>>
      %dma_start3A_63 = tpu.memref_squeeze %dma_start3A_62 : memref<1x128xf32, #tpu.memory_space<vmem>> -> memref<128xf32, #tpu.memory_space<vmem>>
      %dma_start3A_64 = tpu.memref_slice %arg4[%add3A_38] : memref<65536xf32, #tpu.memory_space<hbm>> -> memref<128xf32, #tpu.memory_space<hbm>>
      %dma_start3A_65 = tpu.memref_slice %arg4[%add3A_38] : memref<65536xf32, #tpu.memory_space<hbm>> -> memref<128xf32, #tpu.memory_space<hbm>>
      %dma_start3A_66 = arith.constant 0 : i32
      %dma_start3A_67 = tpu.memref_slice %arg7[%run_scoped3A_39, %dma_start3A_66] : memref<16x128xf32, #tpu.memory_space<vmem>> -> memref<1x128xf32, #tpu.memory_space<vmem>>
      %dma_start3A_68 = tpu.memref_squeeze %dma_start3A_67 : memref<1x128xf32, #tpu.memory_space<vmem>> -> memref<128xf32, #tpu.memory_space<vmem>>
      tpu.enqueue_dma source(%dma_start3A_68 : memref<128xf32, #tpu.memory_space<vmem>>) target(%dma_start3A_65 : memref<128xf32, #tpu.memory_space<hbm>>) target_semaphore(%run_scoped3A_61 : memref<!tpu.dma_semaphore, #tpu.memory_space<semaphore_mem>>)
      %dma_wait3A = arith.constant 0 : i32
      %dma_wait3A_69 = tpu.memref_slice %arg7[%run_scoped3A_39, %dma_wait3A] : memref<16x128xf32, #tpu.memory_space<vmem>> -> memref<1x128xf32, #tpu.memory_space<vmem>>
      %dma_wait3A_70 = tpu.memref_squeeze %dma_wait3A_69 : memref<1x128xf32, #tpu.memory_space<vmem>> -> memref<128xf32, #tpu.memory_space<vmem>>
      %dma_wait3A_71 = tpu.memref_slice %arg4[%add3A_38] : memref<65536xf32, #tpu.memory_space<hbm>> -> memref<128xf32, #tpu.memory_space<hbm>>
      %dma_wait3A_72 = tpu.memref_slice %arg4[%add3A_38] : memref<65536xf32, #tpu.memory_space<hbm>> -> memref<128xf32, #tpu.memory_space<hbm>>
      %dma_wait3A_73 = arith.constant 0 : i32
      %dma_wait3A_74 = tpu.memref_slice %arg7[%run_scoped3A_39, %dma_wait3A_73] : memref<16x128xf32, #tpu.memory_space<vmem>> -> memref<1x128xf32, #tpu.memory_space<vmem>>
      %dma_wait3A_75 = tpu.memref_squeeze %dma_wait3A_74 : memref<1x128xf32, #tpu.memory_space<vmem>> -> memref<128xf32, #tpu.memory_space<vmem>>
      tpu.wait_dma2 semaphore(%run_scoped3A_61 : memref<!tpu.dma_semaphore, #tpu.memory_space<semaphore_mem>>) src(%dma_wait3A_75 : memref<128xf32, #tpu.memory_space<vmem>>) dst(%dma_wait3A_72 : memref<128xf32, #tpu.memory_space<hbm>>)
      tpu.yield
    }) : () -> ()
    %add3A_40 = arith.constant 36864 : i32
    %add3A_41 = arith.addi %add3A_40, %mul3A_2 : i32
    %run_scoped3A_42 = arith.constant 9 : i32
    "tpu.region"() ({
      %run_scoped3A_61 = tpu.sem_alloc : memref<!tpu.dma_semaphore, #tpu.memory_space<semaphore_mem>>
      %dma_start3A = arith.constant 0 : i32
      %dma_start3A_62 = tpu.memref_slice %arg7[%run_scoped3A_42, %dma_start3A] : memref<16x128xf32, #tpu.memory_space<vmem>> -> memref<1x128xf32, #tpu.memory_space<vmem>>
      %dma_start3A_63 = tpu.memref_squeeze %dma_start3A_62 : memref<1x128xf32, #tpu.memory_space<vmem>> -> memref<128xf32, #tpu.memory_space<vmem>>
      %dma_start3A_64 = tpu.memref_slice %arg4[%add3A_41] : memref<65536xf32, #tpu.memory_space<hbm>> -> memref<128xf32, #tpu.memory_space<hbm>>
      %dma_start3A_65 = tpu.memref_slice %arg4[%add3A_41] : memref<65536xf32, #tpu.memory_space<hbm>> -> memref<128xf32, #tpu.memory_space<hbm>>
      %dma_start3A_66 = arith.constant 0 : i32
      %dma_start3A_67 = tpu.memref_slice %arg7[%run_scoped3A_42, %dma_start3A_66] : memref<16x128xf32, #tpu.memory_space<vmem>> -> memref<1x128xf32, #tpu.memory_space<vmem>>
      %dma_start3A_68 = tpu.memref_squeeze %dma_start3A_67 : memref<1x128xf32, #tpu.memory_space<vmem>> -> memref<128xf32, #tpu.memory_space<vmem>>
      tpu.enqueue_dma source(%dma_start3A_68 : memref<128xf32, #tpu.memory_space<vmem>>) target(%dma_start3A_65 : memref<128xf32, #tpu.memory_space<hbm>>) target_semaphore(%run_scoped3A_61 : memref<!tpu.dma_semaphore, #tpu.memory_space<semaphore_mem>>)
      %dma_wait3A = arith.constant 0 : i32
      %dma_wait3A_69 = tpu.memref_slice %arg7[%run_scoped3A_42, %dma_wait3A] : memref<16x128xf32, #tpu.memory_space<vmem>> -> memref<1x128xf32, #tpu.memory_space<vmem>>
      %dma_wait3A_70 = tpu.memref_squeeze %dma_wait3A_69 : memref<1x128xf32, #tpu.memory_space<vmem>> -> memref<128xf32, #tpu.memory_space<vmem>>
      %dma_wait3A_71 = tpu.memref_slice %arg4[%add3A_41] : memref<65536xf32, #tpu.memory_space<hbm>> -> memref<128xf32, #tpu.memory_space<hbm>>
      %dma_wait3A_72 = tpu.memref_slice %arg4[%add3A_41] : memref<65536xf32, #tpu.memory_space<hbm>> -> memref<128xf32, #tpu.memory_space<hbm>>
      %dma_wait3A_73 = arith.constant 0 : i32
      %dma_wait3A_74 = tpu.memref_slice %arg7[%run_scoped3A_42, %dma_wait3A_73] : memref<16x128xf32, #tpu.memory_space<vmem>> -> memref<1x128xf32, #tpu.memory_space<vmem>>
      %dma_wait3A_75 = tpu.memref_squeeze %dma_wait3A_74 : memref<1x128xf32, #tpu.memory_space<vmem>> -> memref<128xf32, #tpu.memory_space<vmem>>
      tpu.wait_dma2 semaphore(%run_scoped3A_61 : memref<!tpu.dma_semaphore, #tpu.memory_space<semaphore_mem>>) src(%dma_wait3A_75 : memref<128xf32, #tpu.memory_space<vmem>>) dst(%dma_wait3A_72 : memref<128xf32, #tpu.memory_space<hbm>>)
      tpu.yield
    }) : () -> ()
    %add3A_43 = arith.constant 40960 : i32
    %add3A_44 = arith.addi %add3A_43, %mul3A_2 : i32
    %run_scoped3A_45 = arith.constant 10 : i32
    "tpu.region"() ({
      %run_scoped3A_61 = tpu.sem_alloc : memref<!tpu.dma_semaphore, #tpu.memory_space<semaphore_mem>>
      %dma_start3A = arith.constant 0 : i32
      %dma_start3A_62 = tpu.memref_slice %arg7[%run_scoped3A_45, %dma_start3A] : memref<16x128xf32, #tpu.memory_space<vmem>> -> memref<1x128xf32, #tpu.memory_space<vmem>>
      %dma_start3A_63 = tpu.memref_squeeze %dma_start3A_62 : memref<1x128xf32, #tpu.memory_space<vmem>> -> memref<128xf32, #tpu.memory_space<vmem>>
      %dma_start3A_64 = tpu.memref_slice %arg4[%add3A_44] : memref<65536xf32, #tpu.memory_space<hbm>> -> memref<128xf32, #tpu.memory_space<hbm>>
      %dma_start3A_65 = tpu.memref_slice %arg4[%add3A_44] : memref<65536xf32, #tpu.memory_space<hbm>> -> memref<128xf32, #tpu.memory_space<hbm>>
      %dma_start3A_66 = arith.constant 0 : i32
      %dma_start3A_67 = tpu.memref_slice %arg7[%run_scoped3A_45, %dma_start3A_66] : memref<16x128xf32, #tpu.memory_space<vmem>> -> memref<1x128xf32, #tpu.memory_space<vmem>>
      %dma_start3A_68 = tpu.memref_squeeze %dma_start3A_67 : memref<1x128xf32, #tpu.memory_space<vmem>> -> memref<128xf32, #tpu.memory_space<vmem>>
      tpu.enqueue_dma source(%dma_start3A_68 : memref<128xf32, #tpu.memory_space<vmem>>) target(%dma_start3A_65 : memref<128xf32, #tpu.memory_space<hbm>>) target_semaphore(%run_scoped3A_61 : memref<!tpu.dma_semaphore, #tpu.memory_space<semaphore_mem>>)
      %dma_wait3A = arith.constant 0 : i32
      %dma_wait3A_69 = tpu.memref_slice %arg7[%run_scoped3A_45, %dma_wait3A] : memref<16x128xf32, #tpu.memory_space<vmem>> -> memref<1x128xf32, #tpu.memory_space<vmem>>
      %dma_wait3A_70 = tpu.memref_squeeze %dma_wait3A_69 : memref<1x128xf32, #tpu.memory_space<vmem>> -> memref<128xf32, #tpu.memory_space<vmem>>
      %dma_wait3A_71 = tpu.memref_slice %arg4[%add3A_44] : memref<65536xf32, #tpu.memory_space<hbm>> -> memref<128xf32, #tpu.memory_space<hbm>>
      %dma_wait3A_72 = tpu.memref_slice %arg4[%add3A_44] : memref<65536xf32, #tpu.memory_space<hbm>> -> memref<128xf32, #tpu.memory_space<hbm>>
      %dma_wait3A_73 = arith.constant 0 : i32
      %dma_wait3A_74 = tpu.memref_slice %arg7[%run_scoped3A_45, %dma_wait3A_73] : memref<16x128xf32, #tpu.memory_space<vmem>> -> memref<1x128xf32, #tpu.memory_space<vmem>>
      %dma_wait3A_75 = tpu.memref_squeeze %dma_wait3A_74 : memref<1x128xf32, #tpu.memory_space<vmem>> -> memref<128xf32, #tpu.memory_space<vmem>>
      tpu.wait_dma2 semaphore(%run_scoped3A_61 : memref<!tpu.dma_semaphore, #tpu.memory_space<semaphore_mem>>) src(%dma_wait3A_75 : memref<128xf32, #tpu.memory_space<vmem>>) dst(%dma_wait3A_72 : memref<128xf32, #tpu.memory_space<hbm>>)
      tpu.yield
    }) : () -> ()
    %add3A_46 = arith.constant 45056 : i32
    %add3A_47 = arith.addi %add3A_46, %mul3A_2 : i32
    %run_scoped3A_48 = arith.constant 11 : i32
    "tpu.region"() ({
      %run_scoped3A_61 = tpu.sem_alloc : memref<!tpu.dma_semaphore, #tpu.memory_space<semaphore_mem>>
      %dma_start3A = arith.constant 0 : i32
      %dma_start3A_62 = tpu.memref_slice %arg7[%run_scoped3A_48, %dma_start3A] : memref<16x128xf32, #tpu.memory_space<vmem>> -> memref<1x128xf32, #tpu.memory_space<vmem>>
      %dma_start3A_63 = tpu.memref_squeeze %dma_start3A_62 : memref<1x128xf32, #tpu.memory_space<vmem>> -> memref<128xf32, #tpu.memory_space<vmem>>
      %dma_start3A_64 = tpu.memref_slice %arg4[%add3A_47] : memref<65536xf32, #tpu.memory_space<hbm>> -> memref<128xf32, #tpu.memory_space<hbm>>
      %dma_start3A_65 = tpu.memref_slice %arg4[%add3A_47] : memref<65536xf32, #tpu.memory_space<hbm>> -> memref<128xf32, #tpu.memory_space<hbm>>
      %dma_start3A_66 = arith.constant 0 : i32
      %dma_start3A_67 = tpu.memref_slice %arg7[%run_scoped3A_48, %dma_start3A_66] : memref<16x128xf32, #tpu.memory_space<vmem>> -> memref<1x128xf32, #tpu.memory_space<vmem>>
      %dma_start3A_68 = tpu.memref_squeeze %dma_start3A_67 : memref<1x128xf32, #tpu.memory_space<vmem>> -> memref<128xf32, #tpu.memory_space<vmem>>
      tpu.enqueue_dma source(%dma_start3A_68 : memref<128xf32, #tpu.memory_space<vmem>>) target(%dma_start3A_65 : memref<128xf32, #tpu.memory_space<hbm>>) target_semaphore(%run_scoped3A_61 : memref<!tpu.dma_semaphore, #tpu.memory_space<semaphore_mem>>)
      %dma_wait3A = arith.constant 0 : i32
      %dma_wait3A_69 = tpu.memref_slice %arg7[%run_scoped3A_48, %dma_wait3A] : memref<16x128xf32, #tpu.memory_space<vmem>> -> memref<1x128xf32, #tpu.memory_space<vmem>>
      %dma_wait3A_70 = tpu.memref_squeeze %dma_wait3A_69 : memref<1x128xf32, #tpu.memory_space<vmem>> -> memref<128xf32, #tpu.memory_space<vmem>>
      %dma_wait3A_71 = tpu.memref_slice %arg4[%add3A_47] : memref<65536xf32, #tpu.memory_space<hbm>> -> memref<128xf32, #tpu.memory_space<hbm>>
      %dma_wait3A_72 = tpu.memref_slice %arg4[%add3A_47] : memref<65536xf32, #tpu.memory_space<hbm>> -> memref<128xf32, #tpu.memory_space<hbm>>
      %dma_wait3A_73 = arith.constant 0 : i32
      %dma_wait3A_74 = tpu.memref_slice %arg7[%run_scoped3A_48, %dma_wait3A_73] : memref<16x128xf32, #tpu.memory_space<vmem>> -> memref<1x128xf32, #tpu.memory_space<vmem>>
      %dma_wait3A_75 = tpu.memref_squeeze %dma_wait3A_74 : memref<1x128xf32, #tpu.memory_space<vmem>> -> memref<128xf32, #tpu.memory_space<vmem>>
      tpu.wait_dma2 semaphore(%run_scoped3A_61 : memref<!tpu.dma_semaphore, #tpu.memory_space<semaphore_mem>>) src(%dma_wait3A_75 : memref<128xf32, #tpu.memory_space<vmem>>) dst(%dma_wait3A_72 : memref<128xf32, #tpu.memory_space<hbm>>)
      tpu.yield
    }) : () -> ()
    %add3A_49 = arith.constant 49152 : i32
    %add3A_50 = arith.addi %add3A_49, %mul3A_2 : i32
    %run_scoped3A_51 = arith.constant 12 : i32
    "tpu.region"() ({
      %run_scoped3A_61 = tpu.sem_alloc : memref<!tpu.dma_semaphore, #tpu.memory_space<semaphore_mem>>
      %dma_start3A = arith.constant 0 : i32
      %dma_start3A_62 = tpu.memref_slice %arg7[%run_scoped3A_51, %dma_start3A] : memref<16x128xf32, #tpu.memory_space<vmem>> -> memref<1x128xf32, #tpu.memory_space<vmem>>
      %dma_start3A_63 = tpu.memref_squeeze %dma_start3A_62 : memref<1x128xf32, #tpu.memory_space<vmem>> -> memref<128xf32, #tpu.memory_space<vmem>>
      %dma_start3A_64 = tpu.memref_slice %arg4[%add3A_50] : memref<65536xf32, #tpu.memory_space<hbm>> -> memref<128xf32, #tpu.memory_space<hbm>>
      %dma_start3A_65 = tpu.memref_slice %arg4[%add3A_50] : memref<65536xf32, #tpu.memory_space<hbm>> -> memref<128xf32, #tpu.memory_space<hbm>>
      %dma_start3A_66 = arith.constant 0 : i32
      %dma_start3A_67 = tpu.memref_slice %arg7[%run_scoped3A_51, %dma_start3A_66] : memref<16x128xf32, #tpu.memory_space<vmem>> -> memref<1x128xf32, #tpu.memory_space<vmem>>
      %dma_start3A_68 = tpu.memref_squeeze %dma_start3A_67 : memref<1x128xf32, #tpu.memory_space<vmem>> -> memref<128xf32, #tpu.memory_space<vmem>>
      tpu.enqueue_dma source(%dma_start3A_68 : memref<128xf32, #tpu.memory_space<vmem>>) target(%dma_start3A_65 : memref<128xf32, #tpu.memory_space<hbm>>) target_semaphore(%run_scoped3A_61 : memref<!tpu.dma_semaphore, #tpu.memory_space<semaphore_mem>>)
      %dma_wait3A = arith.constant 0 : i32
      %dma_wait3A_69 = tpu.memref_slice %arg7[%run_scoped3A_51, %dma_wait3A] : memref<16x128xf32, #tpu.memory_space<vmem>> -> memref<1x128xf32, #tpu.memory_space<vmem>>
      %dma_wait3A_70 = tpu.memref_squeeze %dma_wait3A_69 : memref<1x128xf32, #tpu.memory_space<vmem>> -> memref<128xf32, #tpu.memory_space<vmem>>
      %dma_wait3A_71 = tpu.memref_slice %arg4[%add3A_50] : memref<65536xf32, #tpu.memory_space<hbm>> -> memref<128xf32, #tpu.memory_space<hbm>>
      %dma_wait3A_72 = tpu.memref_slice %arg4[%add3A_50] : memref<65536xf32, #tpu.memory_space<hbm>> -> memref<128xf32, #tpu.memory_space<hbm>>
      %dma_wait3A_73 = arith.constant 0 : i32
      %dma_wait3A_74 = tpu.memref_slice %arg7[%run_scoped3A_51, %dma_wait3A_73] : memref<16x128xf32, #tpu.memory_space<vmem>> -> memref<1x128xf32, #tpu.memory_space<vmem>>
      %dma_wait3A_75 = tpu.memref_squeeze %dma_wait3A_74 : memref<1x128xf32, #tpu.memory_space<vmem>> -> memref<128xf32, #tpu.memory_space<vmem>>
      tpu.wait_dma2 semaphore(%run_scoped3A_61 : memref<!tpu.dma_semaphore, #tpu.memory_space<semaphore_mem>>) src(%dma_wait3A_75 : memref<128xf32, #tpu.memory_space<vmem>>) dst(%dma_wait3A_72 : memref<128xf32, #tpu.memory_space<hbm>>)
      tpu.yield
    }) : () -> ()
    %add3A_52 = arith.constant 53248 : i32
    %add3A_53 = arith.addi %add3A_52, %mul3A_2 : i32
    %run_scoped3A_54 = arith.constant 13 : i32
    "tpu.region"() ({
      %run_scoped3A_61 = tpu.sem_alloc : memref<!tpu.dma_semaphore, #tpu.memory_space<semaphore_mem>>
      %dma_start3A = arith.constant 0 : i32
      %dma_start3A_62 = tpu.memref_slice %arg7[%run_scoped3A_54, %dma_start3A] : memref<16x128xf32, #tpu.memory_space<vmem>> -> memref<1x128xf32, #tpu.memory_space<vmem>>
      %dma_start3A_63 = tpu.memref_squeeze %dma_start3A_62 : memref<1x128xf32, #tpu.memory_space<vmem>> -> memref<128xf32, #tpu.memory_space<vmem>>
      %dma_start3A_64 = tpu.memref_slice %arg4[%add3A_53] : memref<65536xf32, #tpu.memory_space<hbm>> -> memref<128xf32, #tpu.memory_space<hbm>>
      %dma_start3A_65 = tpu.memref_slice %arg4[%add3A_53] : memref<65536xf32, #tpu.memory_space<hbm>> -> memref<128xf32, #tpu.memory_space<hbm>>
      %dma_start3A_66 = arith.constant 0 : i32
      %dma_start3A_67 = tpu.memref_slice %arg7[%run_scoped3A_54, %dma_start3A_66] : memref<16x128xf32, #tpu.memory_space<vmem>> -> memref<1x128xf32, #tpu.memory_space<vmem>>
      %dma_start3A_68 = tpu.memref_squeeze %dma_start3A_67 : memref<1x128xf32, #tpu.memory_space<vmem>> -> memref<128xf32, #tpu.memory_space<vmem>>
      tpu.enqueue_dma source(%dma_start3A_68 : memref<128xf32, #tpu.memory_space<vmem>>) target(%dma_start3A_65 : memref<128xf32, #tpu.memory_space<hbm>>) target_semaphore(%run_scoped3A_61 : memref<!tpu.dma_semaphore, #tpu.memory_space<semaphore_mem>>)
      %dma_wait3A = arith.constant 0 : i32
      %dma_wait3A_69 = tpu.memref_slice %arg7[%run_scoped3A_54, %dma_wait3A] : memref<16x128xf32, #tpu.memory_space<vmem>> -> memref<1x128xf32, #tpu.memory_space<vmem>>
      %dma_wait3A_70 = tpu.memref_squeeze %dma_wait3A_69 : memref<1x128xf32, #tpu.memory_space<vmem>> -> memref<128xf32, #tpu.memory_space<vmem>>
      %dma_wait3A_71 = tpu.memref_slice %arg4[%add3A_53] : memref<65536xf32, #tpu.memory_space<hbm>> -> memref<128xf32, #tpu.memory_space<hbm>>
      %dma_wait3A_72 = tpu.memref_slice %arg4[%add3A_53] : memref<65536xf32, #tpu.memory_space<hbm>> -> memref<128xf32, #tpu.memory_space<hbm>>
      %dma_wait3A_73 = arith.constant 0 : i32
      %dma_wait3A_74 = tpu.memref_slice %arg7[%run_scoped3A_54, %dma_wait3A_73] : memref<16x128xf32, #tpu.memory_space<vmem>> -> memref<1x128xf32, #tpu.memory_space<vmem>>
      %dma_wait3A_75 = tpu.memref_squeeze %dma_wait3A_74 : memref<1x128xf32, #tpu.memory_space<vmem>> -> memref<128xf32, #tpu.memory_space<vmem>>
      tpu.wait_dma2 semaphore(%run_scoped3A_61 : memref<!tpu.dma_semaphore, #tpu.memory_space<semaphore_mem>>) src(%dma_wait3A_75 : memref<128xf32, #tpu.memory_space<vmem>>) dst(%dma_wait3A_72 : memref<128xf32, #tpu.memory_space<hbm>>)
      tpu.yield
    }) : () -> ()
    %add3A_55 = arith.constant 57344 : i32
    %add3A_56 = arith.addi %add3A_55, %mul3A_2 : i32
    %run_scoped3A_57 = arith.constant 14 : i32
    "tpu.region"() ({
      %run_scoped3A_61 = tpu.sem_alloc : memref<!tpu.dma_semaphore, #tpu.memory_space<semaphore_mem>>
      %dma_start3A = arith.constant 0 : i32
      %dma_start3A_62 = tpu.memref_slice %arg7[%run_scoped3A_57, %dma_start3A] : memref<16x128xf32, #tpu.memory_space<vmem>> -> memref<1x128xf32, #tpu.memory_space<vmem>>
      %dma_start3A_63 = tpu.memref_squeeze %dma_start3A_62 : memref<1x128xf32, #tpu.memory_space<vmem>> -> memref<128xf32, #tpu.memory_space<vmem>>
      %dma_start3A_64 = tpu.memref_slice %arg4[%add3A_56] : memref<65536xf32, #tpu.memory_space<hbm>> -> memref<128xf32, #tpu.memory_space<hbm>>
      %dma_start3A_65 = tpu.memref_slice %arg4[%add3A_56] : memref<65536xf32, #tpu.memory_space<hbm>> -> memref<128xf32, #tpu.memory_space<hbm>>
      %dma_start3A_66 = arith.constant 0 : i32
      %dma_start3A_67 = tpu.memref_slice %arg7[%run_scoped3A_57, %dma_start3A_66] : memref<16x128xf32, #tpu.memory_space<vmem>> -> memref<1x128xf32, #tpu.memory_space<vmem>>
      %dma_start3A_68 = tpu.memref_squeeze %dma_start3A_67 : memref<1x128xf32, #tpu.memory_space<vmem>> -> memref<128xf32, #tpu.memory_space<vmem>>
      tpu.enqueue_dma source(%dma_start3A_68 : memref<128xf32, #tpu.memory_space<vmem>>) target(%dma_start3A_65 : memref<128xf32, #tpu.memory_space<hbm>>) target_semaphore(%run_scoped3A_61 : memref<!tpu.dma_semaphore, #tpu.memory_space<semaphore_mem>>)
      %dma_wait3A = arith.constant 0 : i32
      %dma_wait3A_69 = tpu.memref_slice %arg7[%run_scoped3A_57, %dma_wait3A] : memref<16x128xf32, #tpu.memory_space<vmem>> -> memref<1x128xf32, #tpu.memory_space<vmem>>
      %dma_wait3A_70 = tpu.memref_squeeze %dma_wait3A_69 : memref<1x128xf32, #tpu.memory_space<vmem>> -> memref<128xf32, #tpu.memory_space<vmem>>
      %dma_wait3A_71 = tpu.memref_slice %arg4[%add3A_56] : memref<65536xf32, #tpu.memory_space<hbm>> -> memref<128xf32, #tpu.memory_space<hbm>>
      %dma_wait3A_72 = tpu.memref_slice %arg4[%add3A_56] : memref<65536xf32, #tpu.memory_space<hbm>> -> memref<128xf32, #tpu.memory_space<hbm>>
      %dma_wait3A_73 = arith.constant 0 : i32
      %dma_wait3A_74 = tpu.memref_slice %arg7[%run_scoped3A_57, %dma_wait3A_73] : memref<16x128xf32, #tpu.memory_space<vmem>> -> memref<1x128xf32, #tpu.memory_space<vmem>>
      %dma_wait3A_75 = tpu.memref_squeeze %dma_wait3A_74 : memref<1x128xf32, #tpu.memory_space<vmem>> -> memref<128xf32, #tpu.memory_space<vmem>>
      tpu.wait_dma2 semaphore(%run_scoped3A_61 : memref<!tpu.dma_semaphore, #tpu.memory_space<semaphore_mem>>) src(%dma_wait3A_75 : memref<128xf32, #tpu.memory_space<vmem>>) dst(%dma_wait3A_72 : memref<128xf32, #tpu.memory_space<hbm>>)
      tpu.yield
    }) : () -> ()
    %add3A_58 = arith.constant 61440 : i32
    %add3A_59 = arith.addi %add3A_58, %mul3A_2 : i32
    %run_scoped3A_60 = arith.constant 15 : i32
    "tpu.region"() ({
      %run_scoped3A_61 = tpu.sem_alloc : memref<!tpu.dma_semaphore, #tpu.memory_space<semaphore_mem>>
      %dma_start3A = arith.constant 0 : i32
      %dma_start3A_62 = tpu.memref_slice %arg7[%run_scoped3A_60, %dma_start3A] : memref<16x128xf32, #tpu.memory_space<vmem>> -> memref<1x128xf32, #tpu.memory_space<vmem>>
      %dma_start3A_63 = tpu.memref_squeeze %dma_start3A_62 : memref<1x128xf32, #tpu.memory_space<vmem>> -> memref<128xf32, #tpu.memory_space<vmem>>
      %dma_start3A_64 = tpu.memref_slice %arg4[%add3A_59] : memref<65536xf32, #tpu.memory_space<hbm>> -> memref<128xf32, #tpu.memory_space<hbm>>
      %dma_start3A_65 = tpu.memref_slice %arg4[%add3A_59] : memref<65536xf32, #tpu.memory_space<hbm>> -> memref<128xf32, #tpu.memory_space<hbm>>
      %dma_start3A_66 = arith.constant 0 : i32
      %dma_start3A_67 = tpu.memref_slice %arg7[%run_scoped3A_60, %dma_start3A_66] : memref<16x128xf32, #tpu.memory_space<vmem>> -> memref<1x128xf32, #tpu.memory_space<vmem>>
      %dma_start3A_68 = tpu.memref_squeeze %dma_start3A_67 : memref<1x128xf32, #tpu.memory_space<vmem>> -> memref<128xf32, #tpu.memory_space<vmem>>
      tpu.enqueue_dma source(%dma_start3A_68 : memref<128xf32, #tpu.memory_space<vmem>>) target(%dma_start3A_65 : memref<128xf32, #tpu.memory_space<hbm>>) target_semaphore(%run_scoped3A_61 : memref<!tpu.dma_semaphore, #tpu.memory_space<semaphore_mem>>)
      %dma_wait3A = arith.constant 0 : i32
      %dma_wait3A_69 = tpu.memref_slice %arg7[%run_scoped3A_60, %dma_wait3A] : memref<16x128xf32, #tpu.memory_space<vmem>> -> memref<1x128xf32, #tpu.memory_space<vmem>>
      %dma_wait3A_70 = tpu.memref_squeeze %dma_wait3A_69 : memref<1x128xf32, #tpu.memory_space<vmem>> -> memref<128xf32, #tpu.memory_space<vmem>>
      %dma_wait3A_71 = tpu.memref_slice %arg4[%add3A_59] : memref<65536xf32, #tpu.memory_space<hbm>> -> memref<128xf32, #tpu.memory_space<hbm>>
      %dma_wait3A_72 = tpu.memref_slice %arg4[%add3A_59] : memref<65536xf32, #tpu.memory_space<hbm>> -> memref<128xf32, #tpu.memory_space<hbm>>
      %dma_wait3A_73 = arith.constant 0 : i32
      %dma_wait3A_74 = tpu.memref_slice %arg7[%run_scoped3A_60, %dma_wait3A_73] : memref<16x128xf32, #tpu.memory_space<vmem>> -> memref<1x128xf32, #tpu.memory_space<vmem>>
      %dma_wait3A_75 = tpu.memref_squeeze %dma_wait3A_74 : memref<1x128xf32, #tpu.memory_space<vmem>> -> memref<128xf32, #tpu.memory_space<vmem>>
      tpu.wait_dma2 semaphore(%run_scoped3A_61 : memref<!tpu.dma_semaphore, #tpu.memory_space<semaphore_mem>>) src(%dma_wait3A_75 : memref<128xf32, #tpu.memory_space<vmem>>) dst(%dma_wait3A_72 : memref<128xf32, #tpu.memory_space<hbm>>)
      tpu.yield
    }) : () -> ()
    return
  }
}

module attributes {stable_mosaic.version = 14 : i64} {
  func.func @_tc_body(%arg0: i32, %arg1: i32, %arg2: memref<16x4096xf32, #tpu.memory_space<vmem>>, %arg3: memref<16x2048x2048xf32, #tpu.memory_space<any>>, %arg4: memref<2x256x4096xf32, #tpu.memory_space<vmem>>, %arg5: memref<8x!tpu.dma_semaphore, #tpu.memory_space<semaphore_mem>>) attributes {dimension_semantics = [#tpu.dimension_semantics<arbitrary>, #tpu.dimension_semantics<arbitrary>], iteration_bounds = array<i64: 16, 8>, scalar_prefetch = 0 : i64, scratch_operands = 2 : i64, tpu.core_type = #tpu.core_type<tc>, window_params = [{pipeline_mode = #tpu.pipeline_mode<synchronous>, transform_indices = @transform_0, window_bounds = array<i64: 16, 4096>}, {}]} {
    %mul3A = arith.constant 8 : i32
    %mul3A_0 = arith.muli %arg0, %mul3A : i32
    %add3A = arith.addi %mul3A_0, %arg1 : i32
    %jit3A = arith.constant 2 : i32
    %eq3A = arith.constant 0 : i32
    %eq3A_1 = arith.cmpi eq, %jit3A, %eq3A : i32
    %jit3A_2 = arith.constant 1 : i32
    %select_n3A = arith.select %eq3A_1, %jit3A_2, %jit3A : i32
    %rem3A = arith.remsi %arg0, %select_n3A : i32
    %ne3A = arith.constant 0 : i32
    %ne3A_3 = arith.cmpi ne, %rem3A, %ne3A : i32
    %lt3A = arith.constant 0 : i32
    %lt3A_4 = arith.cmpi slt, %rem3A, %lt3A : i32
    %lt3A_5 = arith.constant 0 : i32
    %lt3A_6 = arith.cmpi slt, %select_n3A, %lt3A_5 : i32
    %ne3A_7 = arith.xori %lt3A_4, %lt3A_6 : i1
    %and3A = arith.andi %ne3A_7, %ne3A_3 : i1
    %add3A_8 = arith.addi %rem3A, %select_n3A : i32
    %select_n3A_9 = arith.select %and3A, %add3A_8, %rem3A : i32
    %eq3A_10 = arith.constant 0 : i32
    %eq3A_11 = arith.cmpi eq, %arg1, %eq3A_10 : i32
    %convert_element_type3A = arith.extui %eq3A_11 : i1 to i32
    %cond3A = arith.constant 0 : i32
    %cond3A_12 = arith.cmpi ne, %convert_element_type3A, %cond3A : i32
    scf.if %cond3A_12 {
      %get3A = arith.index_cast %arg0 : i32 to index
      %get3A_53 = arith.constant 0 : index
      %get3A_54 = vector.load %arg2[%get3A, %get3A_53] : memref<16x4096xf32, #tpu.memory_space<vmem>>, vector<1x4096xf32>
      %get3A_55 = vector.shape_cast %get3A_54 : vector<1x4096xf32> to vector<4096xf32>
      %swap3A = arith.constant 0 : i32
      %swap3A_56 = arith.constant 0 : i32
      %swap3A_57 = tpu.memref_slice %arg4[%select_n3A_9, %swap3A, %swap3A_56] : memref<2x256x4096xf32, #tpu.memory_space<vmem>> -> memref<1x256x4096xf32, #tpu.memory_space<vmem>>
      %swap3A_58 = tpu.memref_squeeze %swap3A_57 : memref<1x256x4096xf32, #tpu.memory_space<vmem>> -> memref<256x4096xf32, #tpu.memory_space<vmem>>
      %swap3A_59 = arith.constant 255 : index
      %swap3A_60 = arith.constant 0 : index
      %swap3A_61 = vector.load %swap3A_58[%swap3A_59, %swap3A_60] : memref<256x4096xf32, #tpu.memory_space<vmem>>, vector<1x4096xf32>
      %swap3A_62 = vector.shape_cast %swap3A_61 : vector<1x4096xf32> to vector<4096xf32>
      %swap3A_63 = vector.shape_cast %get3A_55 : vector<4096xf32> to vector<1x4096xf32>
      tpu.vector_store %swap3A_58[%swap3A_59, %swap3A_60], %swap3A_63 {strides = array<i32>} : memref<256x4096xf32, #tpu.memory_space<vmem>>, vector<1x4096xf32>,
      %get3A_64 = arith.constant 0 : i32
      %get3A_65 = arith.constant 0 : i32
      %get3A_66 = tpu.memref_slice %arg4[%select_n3A_9, %get3A_64, %get3A_65] : memref<2x256x4096xf32, #tpu.memory_space<vmem>> -> memref<1x256x4096xf32, #tpu.memory_space<vmem>>
      %get3A_67 = tpu.memref_squeeze %get3A_66 : memref<1x256x4096xf32, #tpu.memory_space<vmem>> -> memref<256x4096xf32, #tpu.memory_space<vmem>>
      %get3A_68 = arith.constant 255 : index
      %get3A_69 = arith.constant 0 : index
      %get3A_70 = vector.load %get3A_67[%get3A_68, %get3A_69] : memref<256x4096xf32, #tpu.memory_space<vmem>>, vector<1x4096xf32>
      %roll3A = arith.constant 4095 : i32
      %roll3A_71 = tpu.dynamic_rotate %get3A_70 by %roll3A dim 1 : vector<1x4096xf32>, i32 -> vector<1x4096xf32>
      %swap3A_72 = arith.constant 0 : i32
      %swap3A_73 = arith.constant 0 : i32
      %swap3A_74 = tpu.memref_slice %arg4[%select_n3A_9, %swap3A_72, %swap3A_73] : memref<2x256x4096xf32, #tpu.memory_space<vmem>> -> memref<1x256x4096xf32, #tpu.memory_space<vmem>>
      %swap3A_75 = tpu.memref_squeeze %swap3A_74 : memref<1x256x4096xf32, #tpu.memory_space<vmem>> -> memref<256x4096xf32, #tpu.memory_space<vmem>>
      %swap3A_76 = arith.constant 254 : index
      %swap3A_77 = arith.constant 0 : index
      %swap3A_78 = vector.load %swap3A_75[%swap3A_76, %swap3A_77] : memref<256x4096xf32, #tpu.memory_space<vmem>>, vector<1x4096xf32>
      tpu.vector_store %swap3A_75[%swap3A_76, %swap3A_77], %roll3A_71 {strides = array<i32>} : memref<256x4096xf32, #tpu.memory_space<vmem>>, vector<1x4096xf32>,
      %get3A_79 = arith.constant 0 : i32
      %get3A_80 = arith.constant 0 : i32
      %get3A_81 = tpu.memref_slice %arg4[%select_n3A_9, %get3A_79, %get3A_80] : memref<2x256x4096xf32, #tpu.memory_space<vmem>> -> memref<1x256x4096xf32, #tpu.memory_space<vmem>>
      %get3A_82 = tpu.memref_squeeze %get3A_81 : memref<1x256x4096xf32, #tpu.memory_space<vmem>> -> memref<256x4096xf32, #tpu.memory_space<vmem>>
      %get3A_83 = arith.constant 254 : index
      %get3A_84 = arith.constant 0 : index
      %get3A_85 = vector.load %get3A_82[%get3A_83, %get3A_84] : memref<256x4096xf32, #tpu.memory_space<vmem>>, vector<2x4096xf32>
      %roll3A_86 = arith.constant 4094 : i32
      %roll3A_87 = tpu.dynamic_rotate %get3A_85 by %roll3A_86 dim 1 : vector<2x4096xf32>, i32 -> vector<2x4096xf32>
      %swap3A_88 = arith.constant 0 : i32
      %swap3A_89 = arith.constant 0 : i32
      %swap3A_90 = tpu.memref_slice %arg4[%select_n3A_9, %swap3A_88, %swap3A_89] : memref<2x256x4096xf32, #tpu.memory_space<vmem>> -> memref<1x256x4096xf32, #tpu.memory_space<vmem>>
      %swap3A_91 = tpu.memref_squeeze %swap3A_90 : memref<1x256x4096xf32, #tpu.memory_space<vmem>> -> memref<256x4096xf32, #tpu.memory_space<vmem>>
      %swap3A_92 = arith.constant 252 : index
      %swap3A_93 = arith.constant 0 : index
      %swap3A_94 = vector.load %swap3A_91[%swap3A_92, %swap3A_93] : memref<256x4096xf32, #tpu.memory_space<vmem>>, vector<2x4096xf32>
      tpu.vector_store %swap3A_91[%swap3A_92, %swap3A_93], %roll3A_87 {strides = array<i32>} : memref<256x4096xf32, #tpu.memory_space<vmem>>, vector<2x4096xf32>,
      %get3A_95 = arith.constant 0 : i32
      %get3A_96 = arith.constant 0 : i32
      %get3A_97 = tpu.memref_slice %arg4[%select_n3A_9, %get3A_95, %get3A_96] : memref<2x256x4096xf32, #tpu.memory_space<vmem>> -> memref<1x256x4096xf32, #tpu.memory_space<vmem>>
      %get3A_98 = tpu.memref_squeeze %get3A_97 : memref<1x256x4096xf32, #tpu.memory_space<vmem>> -> memref<256x4096xf32, #tpu.memory_space<vmem>>
      %get3A_99 = arith.constant 252 : index
      %get3A_100 = arith.constant 0 : index
      %get3A_101 = vector.load %get3A_98[%get3A_99, %get3A_100] : memref<256x4096xf32, #tpu.memory_space<vmem>>, vector<4x4096xf32>
      %roll3A_102 = arith.constant 4092 : i32
      %roll3A_103 = tpu.dynamic_rotate %get3A_101 by %roll3A_102 dim 1 : vector<4x4096xf32>, i32 -> vector<4x4096xf32>
      %swap3A_104 = arith.constant 0 : i32
      %swap3A_105 = arith.constant 0 : i32
      %swap3A_106 = tpu.memref_slice %arg4[%select_n3A_9, %swap3A_104, %swap3A_105] : memref<2x256x4096xf32, #tpu.memory_space<vmem>> -> memref<1x256x4096xf32, #tpu.memory_space<vmem>>
      %swap3A_107 = tpu.memref_squeeze %swap3A_106 : memref<1x256x4096xf32, #tpu.memory_space<vmem>> -> memref<256x4096xf32, #tpu.memory_space<vmem>>
      %swap3A_108 = arith.constant 248 : index
      %swap3A_109 = arith.constant 0 : index
      %swap3A_110 = vector.load %swap3A_107[%swap3A_108, %swap3A_109] : memref<256x4096xf32, #tpu.memory_space<vmem>>, vector<4x4096xf32>
      tpu.vector_store %swap3A_107[%swap3A_108, %swap3A_109], %roll3A_103 {strides = array<i32>} : memref<256x4096xf32, #tpu.memory_space<vmem>>, vector<4x4096xf32>,
      %get3A_111 = arith.constant 0 : i32
      %get3A_112 = arith.constant 0 : i32
      %get3A_113 = tpu.memref_slice %arg4[%select_n3A_9, %get3A_111, %get3A_112] : memref<2x256x4096xf32, #tpu.memory_space<vmem>> -> memref<1x256x4096xf32, #tpu.memory_space<vmem>>
      %get3A_114 = tpu.memref_squeeze %get3A_113 : memref<1x256x4096xf32, #tpu.memory_space<vmem>> -> memref<256x4096xf32, #tpu.memory_space<vmem>>
      %get3A_115 = arith.constant 248 : index
      %get3A_116 = arith.constant 0 : index
      %get3A_117 = vector.load %get3A_114[%get3A_115, %get3A_116] : memref<256x4096xf32, #tpu.memory_space<vmem>>, vector<8x4096xf32>
      %roll3A_118 = arith.constant 4088 : i32
      %roll3A_119 = tpu.dynamic_rotate %get3A_117 by %roll3A_118 dim 1 : vector<8x4096xf32>, i32 -> vector<8x4096xf32>
      %swap3A_120 = arith.constant 0 : i32
      %swap3A_121 = arith.constant 0 : i32
      %swap3A_122 = tpu.memref_slice %arg4[%select_n3A_9, %swap3A_120, %swap3A_121] : memref<2x256x4096xf32, #tpu.memory_space<vmem>> -> memref<1x256x4096xf32, #tpu.memory_space<vmem>>
      %swap3A_123 = tpu.memref_squeeze %swap3A_122 : memref<1x256x4096xf32, #tpu.memory_space<vmem>> -> memref<256x4096xf32, #tpu.memory_space<vmem>>
      %swap3A_124 = arith.constant 240 : index
      %swap3A_125 = arith.constant 0 : index
      %swap3A_126 = vector.load %swap3A_123[%swap3A_124, %swap3A_125] : memref<256x4096xf32, #tpu.memory_space<vmem>>, vector<8x4096xf32>
      tpu.vector_store %swap3A_123[%swap3A_124, %swap3A_125], %roll3A_119 {strides = array<i32>} : memref<256x4096xf32, #tpu.memory_space<vmem>>, vector<8x4096xf32>,
      %get3A_127 = arith.constant 0 : i32
      %get3A_128 = arith.constant 0 : i32
      %get3A_129 = tpu.memref_slice %arg4[%select_n3A_9, %get3A_127, %get3A_128] : memref<2x256x4096xf32, #tpu.memory_space<vmem>> -> memref<1x256x4096xf32, #tpu.memory_space<vmem>>
      %get3A_130 = tpu.memref_squeeze %get3A_129 : memref<1x256x4096xf32, #tpu.memory_space<vmem>> -> memref<256x4096xf32, #tpu.memory_space<vmem>>
      %get3A_131 = arith.constant 240 : index
      %get3A_132 = arith.constant 0 : index
      %get3A_133 = vector.load %get3A_130[%get3A_131, %get3A_132] : memref<256x4096xf32, #tpu.memory_space<vmem>>, vector<16x4096xf32>
      %roll3A_134 = arith.constant 4080 : i32
      %roll3A_135 = tpu.dynamic_rotate %get3A_133 by %roll3A_134 dim 1 : vector<16x4096xf32>, i32 -> vector<16x4096xf32>
      %swap3A_136 = arith.constant 0 : i32
      %swap3A_137 = arith.constant 0 : i32
      %swap3A_138 = tpu.memref_slice %arg4[%select_n3A_9, %swap3A_136, %swap3A_137] : memref<2x256x4096xf32, #tpu.memory_space<vmem>> -> memref<1x256x4096xf32, #tpu.memory_space<vmem>>
      %swap3A_139 = tpu.memref_squeeze %swap3A_138 : memref<1x256x4096xf32, #tpu.memory_space<vmem>> -> memref<256x4096xf32, #tpu.memory_space<vmem>>
      %swap3A_140 = arith.constant 224 : index
      %swap3A_141 = arith.constant 0 : index
      %swap3A_142 = vector.load %swap3A_139[%swap3A_140, %swap3A_141] : memref<256x4096xf32, #tpu.memory_space<vmem>>, vector<16x4096xf32>
      tpu.vector_store %swap3A_139[%swap3A_140, %swap3A_141], %roll3A_135 {strides = array<i32>} : memref<256x4096xf32, #tpu.memory_space<vmem>>, vector<16x4096xf32>,
      %get3A_143 = arith.constant 0 : i32
      %get3A_144 = arith.constant 0 : i32
      %get3A_145 = tpu.memref_slice %arg4[%select_n3A_9, %get3A_143, %get3A_144] : memref<2x256x4096xf32, #tpu.memory_space<vmem>> -> memref<1x256x4096xf32, #tpu.memory_space<vmem>>
      %get3A_146 = tpu.memref_squeeze %get3A_145 : memref<1x256x4096xf32, #tpu.memory_space<vmem>> -> memref<256x4096xf32, #tpu.memory_space<vmem>>
      %get3A_147 = arith.constant 224 : index
      %get3A_148 = arith.constant 0 : index
      %get3A_149 = vector.load %get3A_146[%get3A_147, %get3A_148] : memref<256x4096xf32, #tpu.memory_space<vmem>>, vector<32x4096xf32>
      %roll3A_150 = arith.constant 4064 : i32
      %roll3A_151 = tpu.dynamic_rotate %get3A_149 by %roll3A_150 dim 1 : vector<32x4096xf32>, i32 -> vector<32x4096xf32>
      %swap3A_152 = arith.constant 0 : i32
      %swap3A_153 = arith.constant 0 : i32
      %swap3A_154 = tpu.memref_slice %arg4[%select_n3A_9, %swap3A_152, %swap3A_153] : memref<2x256x4096xf32, #tpu.memory_space<vmem>> -> memref<1x256x4096xf32, #tpu.memory_space<vmem>>
      %swap3A_155 = tpu.memref_squeeze %swap3A_154 : memref<1x256x4096xf32, #tpu.memory_space<vmem>> -> memref<256x4096xf32, #tpu.memory_space<vmem>>
      %swap3A_156 = arith.constant 192 : index
      %swap3A_157 = arith.constant 0 : index
      %swap3A_158 = vector.load %swap3A_155[%swap3A_156, %swap3A_157] : memref<256x4096xf32, #tpu.memory_space<vmem>>, vector<32x4096xf32>
      tpu.vector_store %swap3A_155[%swap3A_156, %swap3A_157], %roll3A_151 {strides = array<i32>} : memref<256x4096xf32, #tpu.memory_space<vmem>>, vector<32x4096xf32>,
      %get3A_159 = arith.constant 0 : i32
      %get3A_160 = arith.constant 0 : i32
      %get3A_161 = tpu.memref_slice %arg4[%select_n3A_9, %get3A_159, %get3A_160] : memref<2x256x4096xf32, #tpu.memory_space<vmem>> -> memref<1x256x4096xf32, #tpu.memory_space<vmem>>
      %get3A_162 = tpu.memref_squeeze %get3A_161 : memref<1x256x4096xf32, #tpu.memory_space<vmem>> -> memref<256x4096xf32, #tpu.memory_space<vmem>>
      %get3A_163 = arith.constant 192 : index
      %get3A_164 = arith.constant 0 : index
      %get3A_165 = vector.load %get3A_162[%get3A_163, %get3A_164] : memref<256x4096xf32, #tpu.memory_space<vmem>>, vector<64x4096xf32>
      %roll3A_166 = arith.constant 4032 : i32
      %roll3A_167 = tpu.dynamic_rotate %get3A_165 by %roll3A_166 dim 1 : vector<64x4096xf32>, i32 -> vector<64x4096xf32>
      %swap3A_168 = arith.constant 0 : i32
      %swap3A_169 = arith.constant 0 : i32
      %swap3A_170 = tpu.memref_slice %arg4[%select_n3A_9, %swap3A_168, %swap3A_169] : memref<2x256x4096xf32, #tpu.memory_space<vmem>> -> memref<1x256x4096xf32, #tpu.memory_space<vmem>>
      %swap3A_171 = tpu.memref_squeeze %swap3A_170 : memref<1x256x4096xf32, #tpu.memory_space<vmem>> -> memref<256x4096xf32, #tpu.memory_space<vmem>>
      %swap3A_172 = arith.constant 128 : index
      %swap3A_173 = arith.constant 0 : index
      %swap3A_174 = vector.load %swap3A_171[%swap3A_172, %swap3A_173] : memref<256x4096xf32, #tpu.memory_space<vmem>>, vector<64x4096xf32>
      tpu.vector_store %swap3A_171[%swap3A_172, %swap3A_173], %roll3A_167 {strides = array<i32>} : memref<256x4096xf32, #tpu.memory_space<vmem>>, vector<64x4096xf32>,
      %get3A_175 = arith.constant 0 : i32
      %get3A_176 = arith.constant 0 : i32
      %get3A_177 = tpu.memref_slice %arg4[%select_n3A_9, %get3A_175, %get3A_176] : memref<2x256x4096xf32, #tpu.memory_space<vmem>> -> memref<1x256x4096xf32, #tpu.memory_space<vmem>>
      %get3A_178 = tpu.memref_squeeze %get3A_177 : memref<1x256x4096xf32, #tpu.memory_space<vmem>> -> memref<256x4096xf32, #tpu.memory_space<vmem>>
      %get3A_179 = arith.constant 128 : index
      %get3A_180 = arith.constant 0 : index
      %get3A_181 = vector.load %get3A_178[%get3A_179, %get3A_180] : memref<256x4096xf32, #tpu.memory_space<vmem>>, vector<128x4096xf32>
      %roll3A_182 = arith.constant 3968 : i32
      %roll3A_183 = tpu.dynamic_rotate %get3A_181 by %roll3A_182 dim 1 : vector<128x4096xf32>, i32 -> vector<128x4096xf32>
      %swap3A_184 = arith.constant 0 : i32
      %swap3A_185 = arith.constant 0 : i32
      %swap3A_186 = tpu.memref_slice %arg4[%select_n3A_9, %swap3A_184, %swap3A_185] : memref<2x256x4096xf32, #tpu.memory_space<vmem>> -> memref<1x256x4096xf32, #tpu.memory_space<vmem>>
      %swap3A_187 = tpu.memref_squeeze %swap3A_186 : memref<1x256x4096xf32, #tpu.memory_space<vmem>> -> memref<256x4096xf32, #tpu.memory_space<vmem>>
      %swap3A_188 = arith.constant 0 : index
      %swap3A_189 = arith.constant 0 : index
      %swap3A_190 = vector.load %swap3A_187[%swap3A_188, %swap3A_189] : memref<256x4096xf32, #tpu.memory_space<vmem>>, vector<128x4096xf32>
      tpu.vector_store %swap3A_187[%swap3A_188, %swap3A_189], %roll3A_183 {strides = array<i32>} : memref<256x4096xf32, #tpu.memory_space<vmem>>, vector<128x4096xf32>,
    } else {
    }
    %mul3A_13 = arith.constant 256 : i32
    %mul3A_14 = arith.muli %mul3A_13, %arg1 : i32
    %sub3A = arith.constant 1792 : i32
    %sub3A_15 = arith.subi %sub3A, %mul3A_14 : i32
    %multiple_of3A = tpu.assume_multiple %sub3A_15, 256 : i32
    %mul3A_16 = arith.constant 256 : i32
    %mul3A_17 = arith.muli %arg1, %mul3A_16 : i32
    %ge3A = arith.constant 8 : i32
    %ge3A_18 = arith.cmpi sge, %add3A, %ge3A : i32
    %convert_element_type3A_19 = arith.extui %ge3A_18 : i1 to i32
    %cond3A_20 = arith.constant 0 : i32
    %cond3A_21 = arith.cmpi ne, %convert_element_type3A_19, %cond3A_20 : i32
    scf.if %cond3A_21 {
      %jit3A_53 = arith.constant 8 : i32
      %eq3A_54 = arith.constant 0 : i32
      %eq3A_55 = arith.cmpi eq, %jit3A_53, %eq3A_54 : i32
      %jit3A_56 = arith.constant 1 : i32
      %select_n3A_57 = arith.select %eq3A_55, %jit3A_56, %jit3A_53 : i32
      %rem3A_58 = arith.remsi %add3A, %select_n3A_57 : i32
      %ne3A_59 = arith.constant 0 : i32
      %ne3A_60 = arith.cmpi ne, %rem3A_58, %ne3A_59 : i32
      %lt3A_61 = arith.constant 0 : i32
      %lt3A_62 = arith.cmpi slt, %rem3A_58, %lt3A_61 : i32
      %lt3A_63 = arith.constant 0 : i32
      %lt3A_64 = arith.cmpi slt, %select_n3A_57, %lt3A_63 : i32
      %ne3A_65 = arith.xori %lt3A_62, %lt3A_64 : i1
      %and3A_66 = arith.andi %ne3A_65, %ne3A_60 : i1
      %add3A_67 = arith.addi %rem3A_58, %select_n3A_57 : i32
      %select_n3A_68 = arith.select %and3A_66, %add3A_67, %rem3A_58 : i32
      %dma_wait3A = tpu.memref_slice %arg5[%select_n3A_68] : memref<8x!tpu.dma_semaphore, #tpu.memory_space<semaphore_mem>> -> memref<1x!tpu.dma_semaphore, #tpu.memory_space<semaphore_mem>>
      %dma_wait3A_69 = tpu.memref_squeeze %dma_wait3A : memref<1x!tpu.dma_semaphore, #tpu.memory_space<semaphore_mem>> -> memref<!tpu.dma_semaphore, #tpu.memory_space<semaphore_mem>>
      %dma_wait3A_70 = arith.constant 0 : i32
      %dma_wait3A_71 = tpu.memref_slice %arg3[%arg0, %mul3A_17, %dma_wait3A_70] : memref<16x2048x2048xf32, #tpu.memory_space<any>> -> memref<1x256x2048xf32, #tpu.memory_space<any>>
      %dma_wait3A_72 = tpu.memref_squeeze %dma_wait3A_71 : memref<1x256x2048xf32, #tpu.memory_space<any>> -> memref<256x2048xf32, #tpu.memory_space<any>>
      %dma_wait3A_73 = arith.constant 0 : i32
      %dma_wait3A_74 = arith.constant 0 : i32
      %dma_wait3A_75 = tpu.memref_slice %arg4[%select_n3A_9, %dma_wait3A_73, %dma_wait3A_74] : memref<2x256x4096xf32, #tpu.memory_space<vmem>> -> memref<1x256x4096xf32, #tpu.memory_space<vmem>>
      %dma_wait3A_76 = tpu.memref_squeeze %dma_wait3A_75 : memref<1x256x4096xf32, #tpu.memory_space<vmem>> -> memref<256x4096xf32, #tpu.memory_space<vmem>>
      %dma_wait3A_77 = arith.constant 0 : i32
      %dma_wait3A_78 = tpu.memref_slice %dma_wait3A_76[%dma_wait3A_77, %multiple_of3A] : memref<256x4096xf32, #tpu.memory_space<vmem>> -> memref<256x2048xf32, #tpu.memory_space<vmem>>
      tpu.wait_dma2 semaphore(%dma_wait3A_69 : memref<!tpu.dma_semaphore, #tpu.memory_space<semaphore_mem>>) src(%dma_wait3A_78 : memref<256x2048xf32, #tpu.memory_space<vmem>>) dst(%dma_wait3A_72 : memref<256x2048xf32, #tpu.memory_space<any>>)
    } else {
    }
    %jit3A_22 = arith.constant 8 : i32
    %eq3A_23 = arith.constant 0 : i32
    %eq3A_24 = arith.cmpi eq, %jit3A_22, %eq3A_23 : i32
    %jit3A_25 = arith.constant 1 : i32
    %select_n3A_26 = arith.select %eq3A_24, %jit3A_25, %jit3A_22 : i32
    %rem3A_27 = arith.remsi %add3A, %select_n3A_26 : i32
    %ne3A_28 = arith.constant 0 : i32
    %ne3A_29 = arith.cmpi ne, %rem3A_27, %ne3A_28 : i32
    %lt3A_30 = arith.constant 0 : i32
    %lt3A_31 = arith.cmpi slt, %rem3A_27, %lt3A_30 : i32
    %lt3A_32 = arith.constant 0 : i32
    %lt3A_33 = arith.cmpi slt, %select_n3A_26, %lt3A_32 : i32
    %ne3A_34 = arith.xori %lt3A_31, %lt3A_33 : i1
    %and3A_35 = arith.andi %ne3A_34, %ne3A_29 : i1
    %add3A_36 = arith.addi %rem3A_27, %select_n3A_26 : i32
    %select_n3A_37 = arith.select %and3A_35, %add3A_36, %rem3A_27 : i32
    %dma_start3A = tpu.memref_slice %arg5[%select_n3A_37] : memref<8x!tpu.dma_semaphore, #tpu.memory_space<semaphore_mem>> -> memref<1x!tpu.dma_semaphore, #tpu.memory_space<semaphore_mem>>
    %dma_start3A_38 = tpu.memref_squeeze %dma_start3A : memref<1x!tpu.dma_semaphore, #tpu.memory_space<semaphore_mem>> -> memref<!tpu.dma_semaphore, #tpu.memory_space<semaphore_mem>>
    %dma_start3A_39 = arith.constant 0 : i32
    %dma_start3A_40 = tpu.memref_slice %arg3[%arg0, %mul3A_17, %dma_start3A_39] : memref<16x2048x2048xf32, #tpu.memory_space<any>> -> memref<1x256x2048xf32, #tpu.memory_space<any>>
    %dma_start3A_41 = tpu.memref_squeeze %dma_start3A_40 : memref<1x256x2048xf32, #tpu.memory_space<any>> -> memref<256x2048xf32, #tpu.memory_space<any>>
    %dma_start3A_42 = arith.constant 0 : i32
    %dma_start3A_43 = arith.constant 0 : i32
    %dma_start3A_44 = tpu.memref_slice %arg4[%select_n3A_9, %dma_start3A_42, %dma_start3A_43] : memref<2x256x4096xf32, #tpu.memory_space<vmem>> -> memref<1x256x4096xf32, #tpu.memory_space<vmem>>
    %dma_start3A_45 = tpu.memref_squeeze %dma_start3A_44 : memref<1x256x4096xf32, #tpu.memory_space<vmem>> -> memref<256x4096xf32, #tpu.memory_space<vmem>>
    %dma_start3A_46 = arith.constant 0 : i32
    %dma_start3A_47 = tpu.memref_slice %dma_start3A_45[%dma_start3A_46, %multiple_of3A] : memref<256x4096xf32, #tpu.memory_space<vmem>> -> memref<256x2048xf32, #tpu.memory_space<vmem>>
    tpu.enqueue_dma source(%dma_start3A_47 : memref<256x2048xf32, #tpu.memory_space<vmem>>) target(%dma_start3A_41 : memref<256x2048xf32, #tpu.memory_space<any>>) target_semaphore(%dma_start3A_38 : memref<!tpu.dma_semaphore, #tpu.memory_space<semaphore_mem>>)
    %eq3A_48 = arith.constant 127 : i32
    %eq3A_49 = arith.cmpi eq, %add3A, %eq3A_48 : i32
    %convert_element_type3A_50 = arith.extui %eq3A_49 : i1 to i32
    %cond3A_51 = arith.constant 0 : i32
    %cond3A_52 = arith.cmpi ne, %convert_element_type3A_50, %cond3A_51 : i32
    scf.if %cond3A_52 {
      %dma_wait3A = arith.constant 0 : i32
      %dma_wait3A_53 = tpu.memref_slice %arg5[%dma_wait3A] : memref<8x!tpu.dma_semaphore, #tpu.memory_space<semaphore_mem>> -> memref<1x!tpu.dma_semaphore, #tpu.memory_space<semaphore_mem>>
      %dma_wait3A_54 = tpu.memref_squeeze %dma_wait3A_53 : memref<1x!tpu.dma_semaphore, #tpu.memory_space<semaphore_mem>> -> memref<!tpu.dma_semaphore, #tpu.memory_space<semaphore_mem>>
      %dma_wait3A_55 = arith.constant 0 : i32
      %dma_wait3A_56 = tpu.memref_slice %arg3[%arg0, %mul3A_17, %dma_wait3A_55] : memref<16x2048x2048xf32, #tpu.memory_space<any>> -> memref<1x256x2048xf32, #tpu.memory_space<any>>
      %dma_wait3A_57 = tpu.memref_squeeze %dma_wait3A_56 : memref<1x256x2048xf32, #tpu.memory_space<any>> -> memref<256x2048xf32, #tpu.memory_space<any>>
      %dma_wait3A_58 = arith.constant 0 : i32
      %dma_wait3A_59 = arith.constant 0 : i32
      %dma_wait3A_60 = tpu.memref_slice %arg4[%select_n3A_9, %dma_wait3A_58, %dma_wait3A_59] : memref<2x256x4096xf32, #tpu.memory_space<vmem>> -> memref<1x256x4096xf32, #tpu.memory_space<vmem>>
      %dma_wait3A_61 = tpu.memref_squeeze %dma_wait3A_60 : memref<1x256x4096xf32, #tpu.memory_space<vmem>> -> memref<256x4096xf32, #tpu.memory_space<vmem>>
      %dma_wait3A_62 = arith.constant 0 : i32
      %dma_wait3A_63 = tpu.memref_slice %dma_wait3A_61[%dma_wait3A_62, %multiple_of3A] : memref<256x4096xf32, #tpu.memory_space<vmem>> -> memref<256x2048xf32, #tpu.memory_space<vmem>>
      tpu.wait_dma2 semaphore(%dma_wait3A_54 : memref<!tpu.dma_semaphore, #tpu.memory_space<semaphore_mem>>) src(%dma_wait3A_63 : memref<256x2048xf32, #tpu.memory_space<vmem>>) dst(%dma_wait3A_57 : memref<256x2048xf32, #tpu.memory_space<any>>)
      %dma_wait3A_64 = arith.constant 1 : i32
      %dma_wait3A_65 = tpu.memref_slice %arg5[%dma_wait3A_64] : memref<8x!tpu.dma_semaphore, #tpu.memory_space<semaphore_mem>> -> memref<1x!tpu.dma_semaphore, #tpu.memory_space<semaphore_mem>>
      %dma_wait3A_66 = tpu.memref_squeeze %dma_wait3A_65 : memref<1x!tpu.dma_semaphore, #tpu.memory_space<semaphore_mem>> -> memref<!tpu.dma_semaphore, #tpu.memory_space<semaphore_mem>>
      %dma_wait3A_67 = arith.constant 0 : i32
      %dma_wait3A_68 = tpu.memref_slice %arg3[%arg0, %mul3A_17, %dma_wait3A_67] : memref<16x2048x2048xf32, #tpu.memory_space<any>> -> memref<1x256x2048xf32, #tpu.memory_space<any>>
      %dma_wait3A_69 = tpu.memref_squeeze %dma_wait3A_68 : memref<1x256x2048xf32, #tpu.memory_space<any>> -> memref<256x2048xf32, #tpu.memory_space<any>>
      %dma_wait3A_70 = arith.constant 0 : i32
      %dma_wait3A_71 = arith.constant 0 : i32
      %dma_wait3A_72 = tpu.memref_slice %arg4[%select_n3A_9, %dma_wait3A_70, %dma_wait3A_71] : memref<2x256x4096xf32, #tpu.memory_space<vmem>> -> memref<1x256x4096xf32, #tpu.memory_space<vmem>>
      %dma_wait3A_73 = tpu.memref_squeeze %dma_wait3A_72 : memref<1x256x4096xf32, #tpu.memory_space<vmem>> -> memref<256x4096xf32, #tpu.memory_space<vmem>>
      %dma_wait3A_74 = arith.constant 0 : i32
      %dma_wait3A_75 = tpu.memref_slice %dma_wait3A_73[%dma_wait3A_74, %multiple_of3A] : memref<256x4096xf32, #tpu.memory_space<vmem>> -> memref<256x2048xf32, #tpu.memory_space<vmem>>
      tpu.wait_dma2 semaphore(%dma_wait3A_66 : memref<!tpu.dma_semaphore, #tpu.memory_space<semaphore_mem>>) src(%dma_wait3A_75 : memref<256x2048xf32, #tpu.memory_space<vmem>>) dst(%dma_wait3A_69 : memref<256x2048xf32, #tpu.memory_space<any>>)
      %dma_wait3A_76 = arith.constant 2 : i32
      %dma_wait3A_77 = tpu.memref_slice %arg5[%dma_wait3A_76] : memref<8x!tpu.dma_semaphore, #tpu.memory_space<semaphore_mem>> -> memref<1x!tpu.dma_semaphore, #tpu.memory_space<semaphore_mem>>
      %dma_wait3A_78 = tpu.memref_squeeze %dma_wait3A_77 : memref<1x!tpu.dma_semaphore, #tpu.memory_space<semaphore_mem>> -> memref<!tpu.dma_semaphore, #tpu.memory_space<semaphore_mem>>
      %dma_wait3A_79 = arith.constant 0 : i32
      %dma_wait3A_80 = tpu.memref_slice %arg3[%arg0, %mul3A_17, %dma_wait3A_79] : memref<16x2048x2048xf32, #tpu.memory_space<any>> -> memref<1x256x2048xf32, #tpu.memory_space<any>>
      %dma_wait3A_81 = tpu.memref_squeeze %dma_wait3A_80 : memref<1x256x2048xf32, #tpu.memory_space<any>> -> memref<256x2048xf32, #tpu.memory_space<any>>
      %dma_wait3A_82 = arith.constant 0 : i32
      %dma_wait3A_83 = arith.constant 0 : i32
      %dma_wait3A_84 = tpu.memref_slice %arg4[%select_n3A_9, %dma_wait3A_82, %dma_wait3A_83] : memref<2x256x4096xf32, #tpu.memory_space<vmem>> -> memref<1x256x4096xf32, #tpu.memory_space<vmem>>
      %dma_wait3A_85 = tpu.memref_squeeze %dma_wait3A_84 : memref<1x256x4096xf32, #tpu.memory_space<vmem>> -> memref<256x4096xf32, #tpu.memory_space<vmem>>
      %dma_wait3A_86 = arith.constant 0 : i32
      %dma_wait3A_87 = tpu.memref_slice %dma_wait3A_85[%dma_wait3A_86, %multiple_of3A] : memref<256x4096xf32, #tpu.memory_space<vmem>> -> memref<256x2048xf32, #tpu.memory_space<vmem>>
      tpu.wait_dma2 semaphore(%dma_wait3A_78 : memref<!tpu.dma_semaphore, #tpu.memory_space<semaphore_mem>>) src(%dma_wait3A_87 : memref<256x2048xf32, #tpu.memory_space<vmem>>) dst(%dma_wait3A_81 : memref<256x2048xf32, #tpu.memory_space<any>>)
      %dma_wait3A_88 = arith.constant 3 : i32
      %dma_wait3A_89 = tpu.memref_slice %arg5[%dma_wait3A_88] : memref<8x!tpu.dma_semaphore, #tpu.memory_space<semaphore_mem>> -> memref<1x!tpu.dma_semaphore, #tpu.memory_space<semaphore_mem>>
      %dma_wait3A_90 = tpu.memref_squeeze %dma_wait3A_89 : memref<1x!tpu.dma_semaphore, #tpu.memory_space<semaphore_mem>> -> memref<!tpu.dma_semaphore, #tpu.memory_space<semaphore_mem>>
      %dma_wait3A_91 = arith.constant 0 : i32
      %dma_wait3A_92 = tpu.memref_slice %arg3[%arg0, %mul3A_17, %dma_wait3A_91] : memref<16x2048x2048xf32, #tpu.memory_space<any>> -> memref<1x256x2048xf32, #tpu.memory_space<any>>
      %dma_wait3A_93 = tpu.memref_squeeze %dma_wait3A_92 : memref<1x256x2048xf32, #tpu.memory_space<any>> -> memref<256x2048xf32, #tpu.memory_space<any>>
      %dma_wait3A_94 = arith.constant 0 : i32
      %dma_wait3A_95 = arith.constant 0 : i32
      %dma_wait3A_96 = tpu.memref_slice %arg4[%select_n3A_9, %dma_wait3A_94, %dma_wait3A_95] : memref<2x256x4096xf32, #tpu.memory_space<vmem>> -> memref<1x256x4096xf32, #tpu.memory_space<vmem>>
      %dma_wait3A_97 = tpu.memref_squeeze %dma_wait3A_96 : memref<1x256x4096xf32, #tpu.memory_space<vmem>> -> memref<256x4096xf32, #tpu.memory_space<vmem>>
      %dma_wait3A_98 = arith.constant 0 : i32
      %dma_wait3A_99 = tpu.memref_slice %dma_wait3A_97[%dma_wait3A_98, %multiple_of3A] : memref<256x4096xf32, #tpu.memory_space<vmem>> -> memref<256x2048xf32, #tpu.memory_space<vmem>>
      tpu.wait_dma2 semaphore(%dma_wait3A_90 : memref<!tpu.dma_semaphore, #tpu.memory_space<semaphore_mem>>) src(%dma_wait3A_99 : memref<256x2048xf32, #tpu.memory_space<vmem>>) dst(%dma_wait3A_93 : memref<256x2048xf32, #tpu.memory_space<any>>)
      %dma_wait3A_100 = arith.constant 4 : i32
      %dma_wait3A_101 = tpu.memref_slice %arg5[%dma_wait3A_100] : memref<8x!tpu.dma_semaphore, #tpu.memory_space<semaphore_mem>> -> memref<1x!tpu.dma_semaphore, #tpu.memory_space<semaphore_mem>>
      %dma_wait3A_102 = tpu.memref_squeeze %dma_wait3A_101 : memref<1x!tpu.dma_semaphore, #tpu.memory_space<semaphore_mem>> -> memref<!tpu.dma_semaphore, #tpu.memory_space<semaphore_mem>>
      %dma_wait3A_103 = arith.constant 0 : i32
      %dma_wait3A_104 = tpu.memref_slice %arg3[%arg0, %mul3A_17, %dma_wait3A_103] : memref<16x2048x2048xf32, #tpu.memory_space<any>> -> memref<1x256x2048xf32, #tpu.memory_space<any>>
      %dma_wait3A_105 = tpu.memref_squeeze %dma_wait3A_104 : memref<1x256x2048xf32, #tpu.memory_space<any>> -> memref<256x2048xf32, #tpu.memory_space<any>>
      %dma_wait3A_106 = arith.constant 0 : i32
      %dma_wait3A_107 = arith.constant 0 : i32
      %dma_wait3A_108 = tpu.memref_slice %arg4[%select_n3A_9, %dma_wait3A_106, %dma_wait3A_107] : memref<2x256x4096xf32, #tpu.memory_space<vmem>> -> memref<1x256x4096xf32, #tpu.memory_space<vmem>>
      %dma_wait3A_109 = tpu.memref_squeeze %dma_wait3A_108 : memref<1x256x4096xf32, #tpu.memory_space<vmem>> -> memref<256x4096xf32, #tpu.memory_space<vmem>>
      %dma_wait3A_110 = arith.constant 0 : i32
      %dma_wait3A_111 = tpu.memref_slice %dma_wait3A_109[%dma_wait3A_110, %multiple_of3A] : memref<256x4096xf32, #tpu.memory_space<vmem>> -> memref<256x2048xf32, #tpu.memory_space<vmem>>
      tpu.wait_dma2 semaphore(%dma_wait3A_102 : memref<!tpu.dma_semaphore, #tpu.memory_space<semaphore_mem>>) src(%dma_wait3A_111 : memref<256x2048xf32, #tpu.memory_space<vmem>>) dst(%dma_wait3A_105 : memref<256x2048xf32, #tpu.memory_space<any>>)
      %dma_wait3A_112 = arith.constant 5 : i32
      %dma_wait3A_113 = tpu.memref_slice %arg5[%dma_wait3A_112] : memref<8x!tpu.dma_semaphore, #tpu.memory_space<semaphore_mem>> -> memref<1x!tpu.dma_semaphore, #tpu.memory_space<semaphore_mem>>
      %dma_wait3A_114 = tpu.memref_squeeze %dma_wait3A_113 : memref<1x!tpu.dma_semaphore, #tpu.memory_space<semaphore_mem>> -> memref<!tpu.dma_semaphore, #tpu.memory_space<semaphore_mem>>
      %dma_wait3A_115 = arith.constant 0 : i32
      %dma_wait3A_116 = tpu.memref_slice %arg3[%arg0, %mul3A_17, %dma_wait3A_115] : memref<16x2048x2048xf32, #tpu.memory_space<any>> -> memref<1x256x2048xf32, #tpu.memory_space<any>>
      %dma_wait3A_117 = tpu.memref_squeeze %dma_wait3A_116 : memref<1x256x2048xf32, #tpu.memory_space<any>> -> memref<256x2048xf32, #tpu.memory_space<any>>
      %dma_wait3A_118 = arith.constant 0 : i32
      %dma_wait3A_119 = arith.constant 0 : i32
      %dma_wait3A_120 = tpu.memref_slice %arg4[%select_n3A_9, %dma_wait3A_118, %dma_wait3A_119] : memref<2x256x4096xf32, #tpu.memory_space<vmem>> -> memref<1x256x4096xf32, #tpu.memory_space<vmem>>
      %dma_wait3A_121 = tpu.memref_squeeze %dma_wait3A_120 : memref<1x256x4096xf32, #tpu.memory_space<vmem>> -> memref<256x4096xf32, #tpu.memory_space<vmem>>
      %dma_wait3A_122 = arith.constant 0 : i32
      %dma_wait3A_123 = tpu.memref_slice %dma_wait3A_121[%dma_wait3A_122, %multiple_of3A] : memref<256x4096xf32, #tpu.memory_space<vmem>> -> memref<256x2048xf32, #tpu.memory_space<vmem>>
      tpu.wait_dma2 semaphore(%dma_wait3A_114 : memref<!tpu.dma_semaphore, #tpu.memory_space<semaphore_mem>>) src(%dma_wait3A_123 : memref<256x2048xf32, #tpu.memory_space<vmem>>) dst(%dma_wait3A_117 : memref<256x2048xf32, #tpu.memory_space<any>>)
      %dma_wait3A_124 = arith.constant 6 : i32
      %dma_wait3A_125 = tpu.memref_slice %arg5[%dma_wait3A_124] : memref<8x!tpu.dma_semaphore, #tpu.memory_space<semaphore_mem>> -> memref<1x!tpu.dma_semaphore, #tpu.memory_space<semaphore_mem>>
      %dma_wait3A_126 = tpu.memref_squeeze %dma_wait3A_125 : memref<1x!tpu.dma_semaphore, #tpu.memory_space<semaphore_mem>> -> memref<!tpu.dma_semaphore, #tpu.memory_space<semaphore_mem>>
      %dma_wait3A_127 = arith.constant 0 : i32
      %dma_wait3A_128 = tpu.memref_slice %arg3[%arg0, %mul3A_17, %dma_wait3A_127] : memref<16x2048x2048xf32, #tpu.memory_space<any>> -> memref<1x256x2048xf32, #tpu.memory_space<any>>
      %dma_wait3A_129 = tpu.memref_squeeze %dma_wait3A_128 : memref<1x256x2048xf32, #tpu.memory_space<any>> -> memref<256x2048xf32, #tpu.memory_space<any>>
      %dma_wait3A_130 = arith.constant 0 : i32
      %dma_wait3A_131 = arith.constant 0 : i32
      %dma_wait3A_132 = tpu.memref_slice %arg4[%select_n3A_9, %dma_wait3A_130, %dma_wait3A_131] : memref<2x256x4096xf32, #tpu.memory_space<vmem>> -> memref<1x256x4096xf32, #tpu.memory_space<vmem>>
      %dma_wait3A_133 = tpu.memref_squeeze %dma_wait3A_132 : memref<1x256x4096xf32, #tpu.memory_space<vmem>> -> memref<256x4096xf32, #tpu.memory_space<vmem>>
      %dma_wait3A_134 = arith.constant 0 : i32
      %dma_wait3A_135 = tpu.memref_slice %dma_wait3A_133[%dma_wait3A_134, %multiple_of3A] : memref<256x4096xf32, #tpu.memory_space<vmem>> -> memref<256x2048xf32, #tpu.memory_space<vmem>>
      tpu.wait_dma2 semaphore(%dma_wait3A_126 : memref<!tpu.dma_semaphore, #tpu.memory_space<semaphore_mem>>) src(%dma_wait3A_135 : memref<256x2048xf32, #tpu.memory_space<vmem>>) dst(%dma_wait3A_129 : memref<256x2048xf32, #tpu.memory_space<any>>)
      %dma_wait3A_136 = arith.constant 7 : i32
      %dma_wait3A_137 = tpu.memref_slice %arg5[%dma_wait3A_136] : memref<8x!tpu.dma_semaphore, #tpu.memory_space<semaphore_mem>> -> memref<1x!tpu.dma_semaphore, #tpu.memory_space<semaphore_mem>>
      %dma_wait3A_138 = tpu.memref_squeeze %dma_wait3A_137 : memref<1x!tpu.dma_semaphore, #tpu.memory_space<semaphore_mem>> -> memref<!tpu.dma_semaphore, #tpu.memory_space<semaphore_mem>>
      %dma_wait3A_139 = arith.constant 0 : i32
      %dma_wait3A_140 = tpu.memref_slice %arg3[%arg0, %mul3A_17, %dma_wait3A_139] : memref<16x2048x2048xf32, #tpu.memory_space<any>> -> memref<1x256x2048xf32, #tpu.memory_space<any>>
      %dma_wait3A_141 = tpu.memref_squeeze %dma_wait3A_140 : memref<1x256x2048xf32, #tpu.memory_space<any>> -> memref<256x2048xf32, #tpu.memory_space<any>>
      %dma_wait3A_142 = arith.constant 0 : i32
      %dma_wait3A_143 = arith.constant 0 : i32
      %dma_wait3A_144 = tpu.memref_slice %arg4[%select_n3A_9, %dma_wait3A_142, %dma_wait3A_143] : memref<2x256x4096xf32, #tpu.memory_space<vmem>> -> memref<1x256x4096xf32, #tpu.memory_space<vmem>>
      %dma_wait3A_145 = tpu.memref_squeeze %dma_wait3A_144 : memref<1x256x4096xf32, #tpu.memory_space<vmem>> -> memref<256x4096xf32, #tpu.memory_space<vmem>>
      %dma_wait3A_146 = arith.constant 0 : i32
      %dma_wait3A_147 = tpu.memref_slice %dma_wait3A_145[%dma_wait3A_146, %multiple_of3A] : memref<256x4096xf32, #tpu.memory_space<vmem>> -> memref<256x2048xf32, #tpu.memory_space<vmem>>
      tpu.wait_dma2 semaphore(%dma_wait3A_138 : memref<!tpu.dma_semaphore, #tpu.memory_space<semaphore_mem>>) src(%dma_wait3A_147 : memref<256x2048xf32, #tpu.memory_space<vmem>>) dst(%dma_wait3A_141 : memref<256x2048xf32, #tpu.memory_space<any>>)
    } else {
    }
    return
  }
  func.func @transform_0(%arg0: i32, %arg1: i32) -> (i32, i32) {
    %c0_i32 = arith.constant 0 : i32
    %c0_i32_0 = arith.constant 0 : i32
    %c0_i32_1 = arith.constant 0 : i32
    return %c0_i32, %c0_i32_0 : i32, i32
  }
}

</mosaic_0001>

<sc_bundles>
// kernel: kernel.4.cloned.1.call-start
scs
__scs_entry_jumppad:
0x0: {  	(pc) =	sbr.rel $0x88, $3  }
0x1: {  	(tag) =	ssettag $0x0;
	lr =	simm.s32 $0x1  }
0x2: {  	[smem:$0x3F9E] =	sst lr;
	_ =	strace $0xD0000000  }
0x3: {  	_ = 	snop  }
0x4: {  	_ = 	snop  }
0x5: {  	_ = 	snop  }
0x6: {  	_ = 	snop  }
0x7: {  	_ = 	snop  }
__scs_overlays_trampoline_lowered:
0x8: {  	[smem:$0x3FAD] =	sst s0  }
0x9: {  	[smem:$0x3FAE] =	sst s1  }
0xa: {  	[smem:$0x3FAF] =	sst s2  }
0xb: {  	[smem:$0x3FB0] =	sst s3  }
0xc: {  	[smem:$0x3FB1] =	sst s4  }
0xd: {  	[smem:$0x3FB2] =	sst s5  }
0xe: {  	[smem:$0x3FB3] =	sst s6  }
0xf: {  	[smem:$0x3FB4] =	sst s7  }
0x10: {  	[smem:$0x3FB5] =	sst s8  }
0x11: {  	[smem:$0x3FB6] =	sst s9;
	s0 =	simm.s32 @!p0 $0x0  }
0x12: {  	s1 =	sld [smem:$0x3F9C];
	s0 =	simm.s32 @p0 $0x1  }
0x13: {  	[smem:$0x3FB7] =	sst s0;
	s0 =	simm.s32 @!p1 $0x0  }
0x14: {  	s2 =	sld [smem:$0x3F9B];
	s0 =	simm.s32 @p1 $0x1  }
0x15: {  	[smem:$0x3FB8] =	sst s0;
	s0 =	simm.s32 @!p2 $0x0  }
0x16: {  	s3 =	sld [smem:$0x3FDB];
	s0 =	simm.s32 @p2 $0x1  }
0x17: {  	s4 =	simm.s32 $0x1BF5;
	[smem:$0x3FBA] =	sst s0  }
0x18: {  	s0 =	sld [smem:$0x3F9D];
	_ =	swait.ge [sflag:s4], $0x0  }
0x19: {  	s7 =	sld [smem:$0x3F9E]  }
0x1a: {  	s8 =	sadd.s32 $0xFFFFE003, lr  }
0x1b: {  	s9 =	sadd.s32 $0xFFFFFEF7, lr;
	s5 =	simm.s32 $0xFFFFFFFF;
	p2 =	slt.u32 s8, $0xFFFFF086  }
0x1c: {  	p1 =	slt.u32 s9, $0xF7A;
	s5 =	simm.s32 @!p2 $0x0  }
0x1d: {  	s5 =	simm.s32 @p1 $0x1;
	p0 =	seq.s32 s7, s2  }
0x1e: {  	s7 =	smul.u32 @!p0 $0xF7A, s2;
	p2 =	seq.s32 @!p0 s5, $0x0  }
0x1f: {  	s9 =	smul.u32 $0xF7A, s1;
	s8 =	simm.s32 @!p0 $0x1BF5;
	p2 =	por !p2, p0  }
0x20: {  	[sflag:s8] =	ssyncset.s32 @!p0 $0xFFFFF086;
	s6 =	sadd.s32 @!p0 s3, s7;
	s7 =	simm.s32 @!p0 $0x108  }
0x21: {  	s3 =	sadd.s32 s3, s9;
	s6 =	sadd.s32 @!p0 $0x88, s6;
	s7 =	simm.s32 @p2 $0x1082  }
0x22: {  	[simem:s7], [sflag:s8] =	dma.local @!p0 [hbm:s6], $0xF7A  }
0x23: {  	s9 =	sor.u32 $0xD0000000, s2;
	s6 =	simm.s32 $0x108;
	_ =	swait.ge @!p0 [sflag:s8], $0x0  }
0x24: {  	s3 =	sadd.s32 $0x88, s3;
	s6 =	simm.s32 @!p1 $0x1082;
	[sflag:s4] =	ssyncset.s32 $0xFFFFF086  }
0x25: {  	[simem:s6], [sflag:s4] =	dma.local [hbm:s3], $0xF7A  }
0x26: {  	[smem:$0x3F9E] =	sst s1;
	(tag) =	ssettag s2;
	_ =	strace s9  }
0x27: {  	s1 =	sld [smem:$0x3FAE]  }
0x28: {  	s2 =	sld [smem:$0x3FAF]  }
0x29: {  	s4 =	sld [smem:$0x3FB1]  }
0x2a: {  	p0 =	seq.s32 s5, $0x0;
	s5 =	sld [smem:$0x3FB2]  }
0x2b: {  	s6 =	sld [smem:$0x3FB3]  }
0x2c: {  	s7 =	sld [smem:$0x3FB4]  }
0x2d: {  	s3 =	simm.s32 $0x108;
	s8 =	sld [smem:$0x3FB5]  }
0x2e: {  	s3 =	simm.s32 @!p0 $0x1082;
	s9 =	sld [smem:$0x3FB6]  }
0x2f: {  	lr =	sadd.s32 s0, s3;
	s0 =	sld [smem:$0x3FAD]  }
0x30: {  	s3 =	sld [smem:$0x3FB0]  }
0x31: {  	[smem:$0x3FB9] =	sst s10  }
0x32: {  	s10 =	sld [smem:$0x3FB7];
	_ =	sdelay $0x3  }
0x33: {  	p0 =	seq.s32 s10, $0x1;
	s10 =	sld [smem:$0x3FB9];
	_ =	sdelay $0x3  }
0x34: {  	[smem:$0x3FB9] =	sst s10  }
0x35: {  	s10 =	sld [smem:$0x3FB8];
	_ =	sdelay $0x3  }
0x36: {  	p1 =	seq.s32 s10, $0x1;
	s10 =	sld [smem:$0x3FB9];
	_ =	sdelay $0x3  }
0x37: {  	[smem:$0x3FB9] =	sst s10  }
0x38: {  	s10 =	sld [smem:$0x3FBA]  }
0x39: {  	_ = 	snop;
	(pc) =	sbr.ind lr, $3  }
0x3a: {  	_ = 	snop  }
0x3b: {  	_ = 	snop  }
0x3c: {  	p2 =	seq.s32 s10, $0x1;
	s10 =	sld [smem:$0x3FB9]  }
0x3d: {  	_ =	shalt  }
0x3e: {  	_ =	shalt  }
0x3f: {  	_ =	shalt  }
0x40: {  	_ =	shalt  }
0x41: {  	_ =	shalt  }
0x42: {  	_ =	shalt  }
0x43: {  	_ =	shalt  }
0x44: {  	_ =	shalt  }
0x45: {  	_ =	shalt  }
0x46: {  	_ =	shalt  }
0x47: {  	_ =	shalt  }
0x48: {  	_ =	shalt  }
0x49: {  	_ =	shalt  }
0x4a: {  	_ =	shalt  }
0x4b: {  	_ =	shalt  }
0x4c: {  	_ =	shalt  }
0x4d: {  	_ =	shalt  }
0x4e: {  	_ =	shalt  }
0x4f: {  	_ =	shalt  }
0x50: {  	_ =	shalt  }
0x51: {  	_ =	shalt  }
0x52: {  	_ =	shalt  }
0x53: {  	_ =	shalt  }
0x54: {  	_ =	shalt  }
0x55: {  	_ =	shalt  }
0x56: {  	_ =	shalt  }
0x57: {  	_ =	shalt  }
0x58: {  	_ =	shalt  }
0x59: {  	_ =	shalt  }
0x5a: {  	_ =	shalt  }
0x5b: {  	_ =	shalt  }
0x5c: {  	_ =	shalt  }
0x5d: {  	_ =	shalt  }
0x5e: {  	_ =	shalt  }
0x5f: {  	_ =	shalt  }
0x60: {  	_ =	shalt  }
0x61: {  	_ =	shalt  }
0x62: {  	_ =	shalt  }
0x63: {  	_ =	shalt  }
0x64: {  	_ =	shalt  }
0x65: {  	_ =	shalt  }
0x66: {  	_ =	shalt  }
0x67: {  	_ =	shalt  }
0x68: {  	_ =	shalt  }
0x69: {  	_ =	shalt  }
0x6a: {  	_ =	shalt  }
0x6b: {  	_ =	shalt  }
0x6c: {  	_ =	shalt  }
0x6d: {  	_ =	shalt  }
0x6e: {  	_ =	shalt  }
0x6f: {  	_ =	shalt  }
0x70: {  	_ =	shalt  }
0x71: {  	_ =	shalt  }
0x72: {  	_ =	shalt  }
0x73: {  	_ =	shalt  }
0x74: {  	_ =	shalt  }
0x75: {  	_ =	shalt  }
0x76: {  	_ =	shalt  }
0x77: {  	_ =	shalt  }
0x78: {  	_ =	shalt  }
0x79: {  	_ =	shalt  }
0x7a: {  	_ =	shalt  }
0x7b: {  	_ =	shalt  }
0x7c: {  	_ =	shalt  }
0x7d: {  	_ =	shalt  }
0x7e: {  	_ =	shalt  }
0x7f: {  	_ =	shalt  }
0x80: {  	_ =	shalt  }
0x81: {  	_ =	shalt  }
0x82: {  	_ =	shalt  }
0x83: {  	_ =	shalt  }
0x84: {  	_ =	shalt  }
0x85: {  	_ =	shalt  }
0x86: {  	_ =	shalt  }
0x87: {  	_ =	shalt  }
.Lfunc_end0:
.L_simem_size_0:
called_computation_lowered:
.L_overlay_start_0:
0x88: {  	s2 =	sld [smem:$0x3FD9]  }
0x89: {  	s3 =	sld [smem:$0x3FFE];
	_ =	sdelay $0x1  }
0x8a: {  	s1 =	srdreg.scid  }
0x8b: {  	s0 =	sand.u32 $0x1, s1  }
0x8c: {  	s17 =	sshll.u32 s0, $0xA;
	s2 =	sadd.s32 s3, s2  }
0x8d: {  	s2 =	sadd.s32 s2, s17  }
0x8e: {  	[smem:$0x3FC5] =	sst s2  }
0x8f: {  	_ = 	snop  }
0x90: {  	s2 =	sld [smem:$0x3FD0];
	(tm) =	ssettm $0x1  }
0x91: {  	s18 =	sld [smem:$0x3FFB];
	_ =	sdelay $0x3  }
0x92: {  	_ =	strace s18  }
0x93: {  	s3 =	sld [smem:$0x3FFC];
	_ =	sdelay $0x3  }
0x94: {  	_ =	strace s3  }
0x95: {  	s3 =	sld [smem:$0x3FFD];
	_ =	sdelay $0x3  }
0x96: {  	_ =	strace s3  }
0x97: {  	_ =	strace $0x8FFFFFFF  }
0x98: {  	s19 =	sld [smem:$0x3FDB];
	_ =	sdelay $0x1  }
0x99: {  	s4 =	simm.s32 $_scs_section_size  }
0x9a: {  	s5 =	simm.s32 $_size__tile_overlayer_lowered;
	s6 =	simm.s32 $_tile_overlayer_lowered  }
0x9b: {  	s22 =	simm.s32 $0x1BFF;
	s21 =	sshll.u32 s6, $0x1;
	s3 =	sadd.s32 s4, s19  }
0x9c: {  	s7 =	simm.s32 $0x0;
	s20 =	sshll.u32 s5, $0x1;
	s5 =	sadd.s32 s21, s3  }
0x9d: {  	[timem:s7], [sflag:s22] =	dma.local [hbm:s5], s20  }
0x9e: {  	_ =	swait.ge [sflag:s22], s20  }
0x9f: {  	s4 =	ssub.s32 $0x0, s20;
	[sflag:s22] =	ssyncset.done $0x0  }
0xa0: {  	[sflag:s22] =	ssyncadd.s32 s4;
	_ =	sdelay $0x1  }
0xa1: {  	s23 =	simm.s32 $0x1B8B  }
0xa2: {  	_ =	swait.ge [sflag:s23], $0x1  }
0xa3: {  	[sflag:s23] =	ssyncset.done $0x0  }
0xa4: {  	s25 =	simm.s32 $0x1B8E;
	s24 =	sld [smem:$0x3FFE];
	[sflag:s23] =	ssyncadd.s32 $0xFFFFFFFF  }
0xa5: {  	s26 =	simm.s32 $execute0_lowered;
	[smem:$0x3FD2] =	sst s25  }
0xa6: {  	s5 =	sshll.u32 s26, $0x1;
	_ =	strace $0x80000046;
	[dreg:$0x1] =	wrdreg $0xFFFFFFFF  }
0xa7: {  	s28 =	simm.s32 $_size_execute0_lowered;
	s3 =	sadd.s32 s3, s5;
	[dreg:$0x0] =	wrdreg $0x0  }
0xa8: {  	s5 =	sshll.u32 s28, $0x1;
	[dreg:$0x2] =	wrdreg s3  }
0xa9: {  	[dreg:$0x3] =	wrdreg s5  }
0xaa: {  	[dreg:$0x4] =	wrdreg $0xC0  }
0xab: {  	_ =	task [dreg:s7], $0x5FFFF  }
0xac: {  	[dreg:$0x1] =	wrdreg $0xFFFFFFFF  }
0xad: {  	[dreg:$0x0] =	wrdreg $0x60  }
0xae: {  	[dreg:$0x2] =	wrdreg s24  }
0xaf: {  	[dreg:$0x3] =	wrdreg s2  }
0xb0: {  	[dreg:$0x4] =	wrdreg $0x9  }
0xb1: {  	_ =	task.clear_ibuf [dreg:s7], $0x5FFFF;
	_ =	strace $0x90000046  }
0xb2: {  	s29 =	simm.s32 $0x9;
	_ =	strace $0x80000048  }
0xb3: {  	_ =	swait.ge [sflag:s29], $0x1  }
0xb4: {  	[sflag:s29] =	ssyncadd.s32 $0xFFFFFFFF  }
0xb5: {  	_ =	strace $0x90000048  }
0xb6: {  	_ =	sfence  }
0xb7: {  	s30 =	sld [smem:$0x0];
	_ =	sdelay $0x2  }
0xb8: {  	s31 =	sshll.u32 s1, $0xD;
	s1 =	sshrl.u32 s1, $0x2  }
0xb9: {  	s3 =	sand.u32 $0x4000, s31;
	s1 =	sadd.s32 s1, s30  }
0xba: {  	s0 =	sor.u32 s3, s0;
	s1 =	sshll.u32 s1, $0x11  }
0xbb: {  	s0 =	sor.u32 s1, s0  }
0xbc: {  	s0 =	sadd.s32 $0x8F2B, s0  }
0xbd: {  	[sflag:s0] =	ssyncadd.remote.s32 $0x1  }
0xbe: {  	_ =	sfence.sel $0xFFFF  }
0xbf: {  	[dreg:$0x0] =	wrdreg $0xFFFFFFFF;
	(pc) =	sbr.abs _section_cstart, $3  }
0xc0: {  	[dreg:$0x1] =	wrdreg $0xFFFFFFFF  }
0xc1: {  	_ =	task.clear_ibuf [dreg:s7], $0x2FFFF;
	_ =	strace $0x9FFFFFFF  }
0xc2: {  	(tm) =	ssettm $0x7FFFFFFF  }
0xc3: {  	_ =	shalt  }
tec
execute0_lowered:
.L_overlay_start_1:
0x0: {  	(tag) =	ssettag $0x1  }
0x1: {  	s0 =	rddreg [dreg:$0x0]  }
0x2: {  	s1 =	rddreg [dreg:$0x1]  }
0x3: {  	s3 =	srdreg.scid;
	s2 =	simm.s32 $0x0;
	s4 =	stileid.u32  }
0x4: {  	s23 =	simm.s32 $0x1;
	s24 =	simm.s32 $0x880;
	s29 =	simm.s32 $0xA80  }
0x5: {  	s30 =	simm.s32 $0xB00;
	s31 =	simm.s32 $0xB80;
	s5 =	sand.u32 $0x1, s3  }
0x6: {  	[smem:$0x7FF] =	sst s2;
	s25 =	sshll.u32 s4, $0x8;
	s26 =	sshll.u32 s5, $0x7  }
0x7: {  	s4 =	sadd.s32 $0x400, s0;
	s7 =	ssub.s32 $0x2, s5;
	s3 =	sor.u32 s26, s25  }
0x8: {  	_ =	strace $0x80000047;
	s28 =	sshrl.u32 s7, $0x1;
	s6 =	sshrl.u32 s3, $0x3  }
0x9: {  	s5 =	sadd.s32 $0x600, s0;
	s0 =	ssub.s32 s7, s28;
	s6 =	sadd.s32 s1, s6  }
0xa: {  	s22 =	smax.u32 s0, $0x1;
	s0 =	simm.s32 $0xC00;
	s1 =	simm.s32 $0x0  }
0xb: {  	s7 =	sadd.s32 $0x200, s6;
	s8 =	sadd.s32 $0x400, s6;
	s9 =	sadd.s32 $0x600, s6  }
0xc: {  	s10 =	sadd.s32 $0x800, s6;
	s11 =	sadd.s32 $0xA00, s6;
	s12 =	sadd.s32 $0xC00, s6  }
0xd: {  	s13 =	sadd.s32 $0xE00, s6;
	s14 =	sadd.s32 $0x1000, s6;
	s15 =	sadd.s32 $0x1200, s6  }
0xe: {  	v0 =	vlaneseq.u32;
	s16 =	sadd.s32 $0x1400, s6;
	s17 =	sadd.s32 $0x1600, s6;
	s18 =	sadd.s32 $0x1800, s6  }
0xf: {  	v1 =	vimm.s32 $0x10;
	v2 =	vimm.s32 $0x0;
	v0 =	vadd.s32 $0xFFFFF801, v0;
	s19 =	sadd.s32 $0x1A00, s6;
	s20 =	sadd.s32 $0x1C00, s6;
	s21 =	sadd.s32 $0x1E00, s6  }
.LBB2_1:
0x10: {  	[tilespmem:s2], [sflag:$0x1] =	stream.linear.gather [hbm4b:s4+s2], $0x400, $0x38;
	[tilespmem:$0xC80] =	vst v63  }
0x11: {  	_ =	swait.ge [sflag:s23], $0x400  }
0x12: {  	[sflag:s23] =	ssyncset.done $0x0  }
0x13: {  	s25 =	simm.s32 $0x400;
	[sflag:s23] =	ssyncadd.s32 $0xFFFFFC00  }
0x14: {  	[tilespmem:s25], [sflag:$0x1] =	stream.linear.gather [hbm4b:s5+s2], $0x80, $0x38;
	[tilespmem:$0xC80] =	vst v63  }
0x15: {  	_ =	swait.ge [sflag:s23], $0x80  }
0x16: {  	[sflag:s23] =	ssyncset.done $0x0  }
0x17: {  	[sflag:s23] =	ssyncadd.s32 $0xFFFFFF80  }
0x18: {  	v3 =	vld [tilespmem:$0x400];
	_ =	sdelay $0x3  }
0x19: {  	s26 =	sadd.s32 $0x0, s3  }
0x1a: {  	v4 =	vmov s26;
	v3 =	vadd.s32 v0, v3  }
0x1b: {  	v4 =	vadd.s32 v4, v3  }
0x1c: {  	v5 =	vsub.s32 $0x0, v4  }
0x1d: {  	v5 =	vmin.u32 v4, v5  }
0x1e: {  	vm0 =	vgt.s32 v5, $0x12;
	vm1 =	vgt.s32 v5, $0x14  }
0x1f: {  	vm13 =	vgt.s32 v5, $0x17;
	v6 =	vsel vm0, $0x11, v1;
	v7 =	vsel vm1, $0x1, v2  }
0x20: {  	vm14 =	vgt.s32 v5, $0x1A;
	v6 =	vadd.s32 v7, v6;
	v7 =	vsel vm13, $0x1, v2  }
0x21: {  	vm15 =	vgt.s32 v5, $0x1E;
	v6 =	vadd.s32 v7, v6;
	v7 =	vsel vm14, $0x1, v2  }
0x22: {  	vm4 =	vgt.s32 v5, $0x22;
	v6 =	vadd.s32 v7, v6;
	v7 =	vsel vm15, $0x1, v2  }
0x23: {  	vm5 =	vgt.s32 v5, $0x27;
	v6 =	vadd.s32 v7, v6;
	v7 =	vsel vm4, $0x1, v2  }
0x24: {  	vm6 =	vgt.s32 v5, $0x2D;
	v6 =	vadd.s32 v7, v6;
	v7 =	vsel vm5, $0x1, v2  }
0x25: {  	vm7 =	vgt.s32 v5, $0x33;
	v6 =	vadd.s32 v7, v6;
	v7 =	vsel vm6, $0x1, v2  }
0x26: {  	vm8 =	vgt.s32 v5, $0x3A;
	v6 =	vadd.s32 v7, v6;
	v7 =	vsel vm7, $0x1, v2  }
0x27: {  	vm9 =	vgt.s32 v5, $0x42;
	v6 =	vadd.s32 v7, v6;
	v7 =	vsel vm8, $0x1, v2  }
0x28: {  	vm10 =	vgt.s32 v5, $0x4C;
	v6 =	vadd.s32 v7, v6;
	v7 =	vsel vm9, $0x1, v2  }
0x29: {  	vm11 =	vgt.s32 v5, $0x56;
	v6 =	vadd.s32 v7, v6;
	v7 =	vsel vm10, $0x1, v2  }
0x2a: {  	vm12 =	vgt.s32 v5, $0x62;
	v6 =	vadd.s32 v7, v6;
	v7 =	vsel vm11, $0x1, v2  }
0x2b: {  	vm13 =	vgt.s32 v5, $0x70;
	v6 =	vadd.s32 v7, v6;
	v7 =	vsel vm12, $0x1, v2  }
0x2c: {  	v6 =	vadd.s32 v7, v6;
	v7 =	vsel vm13, $0x1, v2  }
0x2d: {  	vm14 =	vlt.s32 v5, $0x10;
	vm15 =	vlt.s32 v2, v4;
	v6 =	vadd.s32 v7, v6  }
0x2e: {  	v4 =	vsel vm14, v5, v6;
	v5 =	vsel vm15, $0x20, v2  }
0x2f: {  	v4 =	vadd.s32 v5, v4  }
0x30: {  	v4 =	vshll.u32 v4, $0x4;
	_ =	sdelay $0x4  }
0x31: {  	v5 =	vld.idx.msk [tilespmem:v4+s2+$0x0], $0xffff  }
0x32: {  	v6 =	vor.u32 $0x1, v4;
	_ =	sdelay $0x3  }
0x33: {  	[tilespmem:s24+$0xFFFFFC00] =	vst v5  }
0x34: {  	v5 =	vld.idx.msk [tilespmem:v6+s2+$0x0], $0xffff  }
0x35: {  	v6 =	vor.u32 $0x2, v4;
	_ =	sdelay $0x3  }
0x36: {  	[tilespmem:s24+$0xFFFFFC80] =	vst v5  }
0x37: {  	v5 =	vld.idx.msk [tilespmem:v6+s2+$0x0], $0xffff  }
0x38: {  	v6 =	vor.u32 $0x3, v4;
	_ =	sdelay $0x3  }
0x39: {  	[tilespmem:s24+$0xFFFFFD00] =	vst v5  }
0x3a: {  	v5 =	vld.idx.msk [tilespmem:v6+s2+$0x0], $0xffff  }
0x3b: {  	v6 =	vor.u32 $0x4, v4;
	_ =	sdelay $0x3  }
0x3c: {  	[tilespmem:s24+$0xFFFFFD80] =	vst v5  }
0x3d: {  	v5 =	vld.idx.msk [tilespmem:v6+s2+$0x0], $0xffff  }
0x3e: {  	v6 =	vor.u32 $0x5, v4;
	_ =	sdelay $0x3  }
0x3f: {  	[tilespmem:s24+$0xFFFFFE00] =	vst v5  }
0x40: {  	v5 =	vld.idx.msk [tilespmem:v6+s2+$0x0], $0xffff  }
0x41: {  	v6 =	vor.u32 $0x6, v4;
	_ =	sdelay $0x3  }
0x42: {  	[tilespmem:s24+$0xFFFFFE80] =	vst v5  }
0x43: {  	v5 =	vld.idx.msk [tilespmem:v6+s2+$0x0], $0xffff  }
0x44: {  	v6 =	vor.u32 $0x7, v4;
	_ =	sdelay $0x3  }
0x45: {  	[tilespmem:s24+$0xFFFFFF00] =	vst v5  }
0x46: {  	v5 =	vld.idx.msk [tilespmem:v6+s2+$0x0], $0xffff  }
0x47: {  	v6 =	vor.u32 $0x8, v4;
	_ =	sdelay $0x3  }
0x48: {  	[tilespmem:s24+$0xFFFFFF80] =	vst v5  }
0x49: {  	v5 =	vld.idx.msk [tilespmem:v6+s2+$0x0], $0xffff  }
0x4a: {  	v6 =	vor.u32 $0x9, v4;
	_ =	sdelay $0x3  }
0x4b: {  	[tilespmem:s24+$0x0] =	vst v5  }
0x4c: {  	v5 =	vld.idx.msk [tilespmem:v6+s2+$0x0], $0xffff  }
0x4d: {  	v6 =	vor.u32 $0xA, v4;
	_ =	sdelay $0x3  }
0x4e: {  	[tilespmem:s24+$0x80] =	vst v5  }
0x4f: {  	v5 =	vld.idx.msk [tilespmem:v6+s2+$0x0], $0xffff  }
0x50: {  	v6 =	vor.u32 $0xB, v4;
	_ =	sdelay $0x3  }
0x51: {  	[tilespmem:s24+$0x100] =	vst v5  }
0x52: {  	v5 =	vld.idx.msk [tilespmem:v6+s2+$0x0], $0xffff  }
0x53: {  	v7 =	vor.u32 $0xC, v4;
	_ =	sdelay $0x3  }
0x54: {  	s28 =	sadd.s32 $0x10, s3;
	[tilespmem:s24+$0x180] =	vst v5  }
0x55: {  	s26 =	simm.s32 $0x20;
	s25 =	simm.s32 $0x880;
	v6 =	vmov s28;
	v5 =	vld.idx.msk [tilespmem:v7+s2+$0x0], $0xffff  }
.LBB2_2:
0x56: {  	p0 =	sne.s32 s26, $0x70;
	v6 =	vadd.s32 v6, v3  }
0x57: {  	v8 =	vor.u32 $0xD, v4;
	v7 =	vsub.s32 $0x0, v6  }
0x58: {  	v7 =	vmin.u32 v6, v7  }
0x59: {  	vm0 =	vgt.s32 v7, $0x56  }
0x5a: {  	vm1 =	vgt.s32 v7, $0x12;
	vm2 =	vgt.s32 v7, $0x14;
	vm3 =	vgt.s32 v7, $0x22  }
0x5b: {  	v9 =	vsel vm1, $0x11, v1;
	v10 =	vsel vm2, $0x1, v2;
	vm1 =	vgt.s32 v7, $0x17;
	[tilespmem:s25+$0x200] =	vst v5  }
0x5c: {  	v5 =	vadd.s32 v10, v9;
	v9 =	vsel vm1, $0x1, v2;
	vm1 =	vgt.s32 v7, $0x1A;
	v8 =	vld.idx.msk [tilespmem:v8+s2+$0x0], $0xffff  }
0x5d: {  	v5 =	vadd.s32 v9, v5;
	v9 =	vsel vm1, $0x1, v2;
	vm1 =	vgt.s32 v7, $0x1E  }
0x5e: {  	v10 =	vor.u32 $0xE, v4;
	v5 =	vadd.s32 v9, v5;
	v9 =	vsel vm1, $0x1, v2  }
0x5f: {  	vm1 =	vgt.s32 v7, $0x27;
	v5 =	vadd.s32 v9, v5;
	v9 =	vsel vm3, $0x1, v2  }
0x60: {  	v5 =	vadd.s32 v9, v5;
	v9 =	vsel vm1, $0x1, v2;
	vm1 =	vgt.s32 v7, $0x2D  }
0x61: {  	v5 =	vadd.s32 v9, v5;
	v9 =	vsel vm1, $0x1, v2;
	vm1 =	vgt.s32 v7, $0x33  }
0x62: {  	v5 =	vadd.s32 v9, v5;
	v9 =	vsel vm1, $0x1, v2;
	vm1 =	vgt.s32 v7, $0x3A;
	[tilespmem:s25+$0x280] =	vst v8  }
0x63: {  	v5 =	vadd.s32 v9, v5;
	v8 =	vsel vm1, $0x1, v2;
	vm1 =	vgt.s32 v7, $0x42;
	v9 =	vld.idx.msk [tilespmem:v10+s2+$0x0], $0xffff  }
0x64: {  	v5 =	vadd.s32 v8, v5;
	v8 =	vsel vm1, $0x1, v2;
	vm1 =	vgt.s32 v7, $0x4C  }
0x65: {  	v4 =	vor.u32 $0xF, v4;
	v5 =	vadd.s32 v8, v5;
	v8 =	vsel vm1, $0x1, v2  }
0x66: {  	v5 =	vadd.s32 v8, v5;
	v8 =	vsel vm0, $0x1, v2;
	vm0 =	vgt.s32 v7, $0x62  }
0x67: {  	v5 =	vadd.s32 v8, v5;
	v8 =	vsel vm0, $0x1, v2;
	vm0 =	vgt.s32 v7, $0x70  }
0x68: {  	v5 =	vadd.s32 v8, v5;
	v8 =	vsel vm0, $0x1, v2  }
0x69: {  	vm1 =	vlt.s32 v2, v6;
	vm0 =	vlt.s32 v7, $0x10;
	v5 =	vadd.s32 v8, v5;
	[tilespmem:s25+$0x300] =	vst v9  }
0x6a: {  	v6 =	vsel vm1, $0x20, v2;
	v5 =	vsel vm0, v7, v5;
	v7 =	vld.idx.msk [tilespmem:v4+s2+$0x0], $0xffff  }
0x6b: {  	v4 =	vadd.s32 v6, v5  }
0x6c: {  	v4 =	vshll.u32 v4, $0x4;
	_ =	sdelay $0x3  }
0x6d: {  	[tilespmem:s25+$0x380] =	vst v7  }
0x6e: {  	v5 =	vld.idx.msk [tilespmem:v4+s2+$0x0], $0xffff;
	_ =	sdelay $0x1  }
0x6f: {  	v6 =	vor.u32 $0x1, v4;
	_ =	sdelay $0x2  }
0x70: {  	s25 =	sadd.s32 $0x10, s25  }
0x71: {  	[tilespmem:s25+$0xFFFFFC00] =	vst v5  }
0x72: {  	v5 =	vld.idx.msk [tilespmem:v6+s2+$0x0], $0xffff;
	_ =	sdelay $0x1  }
0x73: {  	v6 =	vor.u32 $0x2, v4;
	_ =	sdelay $0x3  }
0x74: {  	[tilespmem:s25+$0xFFFFFC80] =	vst v5  }
0x75: {  	v5 =	vld.idx.msk [tilespmem:v6+s2+$0x0], $0xffff;
	_ =	sdelay $0x1  }
0x76: {  	v6 =	vor.u32 $0x3, v4;
	_ =	sdelay $0x3  }
0x77: {  	[tilespmem:s25+$0xFFFFFD00] =	vst v5  }
0x78: {  	v5 =	vld.idx.msk [tilespmem:v6+s2+$0x0], $0xffff;
	_ =	sdelay $0x1  }
0x79: {  	v6 =	vor.u32 $0x4, v4;
	_ =	sdelay $0x3  }
0x7a: {  	[tilespmem:s25+$0xFFFFFD80] =	vst v5  }
0x7b: {  	v5 =	vld.idx.msk [tilespmem:v6+s2+$0x0], $0xffff;
	_ =	sdelay $0x1  }
0x7c: {  	v6 =	vor.u32 $0x5, v4;
	_ =	sdelay $0x3  }
0x7d: {  	[tilespmem:s25+$0xFFFFFE00] =	vst v5  }
0x7e: {  	v5 =	vld.idx.msk [tilespmem:v6+s2+$0x0], $0xffff;
	_ =	sdelay $0x1  }
0x7f: {  	v6 =	vor.u32 $0x6, v4;
	_ =	sdelay $0x3  }
0x80: {  	[tilespmem:s25+$0xFFFFFE80] =	vst v5  }
0x81: {  	v5 =	vld.idx.msk [tilespmem:v6+s2+$0x0], $0xffff;
	_ =	sdelay $0x1  }
0x82: {  	v6 =	vor.u32 $0x7, v4;
	_ =	sdelay $0x3  }
0x83: {  	[tilespmem:s25+$0xFFFFFF00] =	vst v5  }
0x84: {  	v5 =	vld.idx.msk [tilespmem:v6+s2+$0x0], $0xffff;
	_ =	sdelay $0x1  }
0x85: {  	v6 =	vor.u32 $0x8, v4;
	_ =	sdelay $0x3  }
0x86: {  	[tilespmem:s25+$0xFFFFFF80] =	vst v5  }
0x87: {  	v5 =	vld.idx.msk [tilespmem:v6+s2+$0x0], $0xffff;
	_ =	sdelay $0x1  }
0x88: {  	v6 =	vor.u32 $0x9, v4;
	_ =	sdelay $0x3  }
0x89: {  	[tilespmem:s25+$0x0] =	vst v5  }
0x8a: {  	v5 =	vld.idx.msk [tilespmem:v6+s2+$0x0], $0xffff;
	_ =	sdelay $0x1  }
0x8b: {  	v6 =	vor.u32 $0xA, v4;
	_ =	sdelay $0x3  }
0x8c: {  	[tilespmem:s25+$0x80] =	vst v5  }
0x8d: {  	v5 =	vld.idx.msk [tilespmem:v6+s2+$0x0], $0xffff;
	_ =	sdelay $0x1  }
0x8e: {  	v6 =	vor.u32 $0xB, v4;
	_ =	sdelay $0x3  }
0x8f: {  	[tilespmem:s25+$0x100] =	vst v5  }
0x90: {  	v5 =	vld.idx.msk [tilespmem:v6+s2+$0x0], $0xffff;
	_ =	sdelay $0x1  }
0x91: {  	v7 =	vor.u32 $0xC, v4  }
.Ltmp0:
0x92: {  	(pc) =	sbr.rel @p0 .LBB2_2-.Ltmp0, $3  }
0x93: {  	_ =	sdelay $0x1  }
0x94: {  	s28 =	sadd.s32 s26, s3;
	[tilespmem:s25+$0x180] =	vst v5  }
0x95: {  	s26 =	sadd.s32 $0x10, s26;
	v6 =	vmov s28;
	v5 =	vld.idx.msk [tilespmem:v7+s2+$0x0], $0xffff  }
0x96: {  	v3 =	vadd.s32 v6, v3  }
0x97: {  	v6 =	vsub.s32 $0x0, v3  }
0x98: {  	v7 =	vor.u32 $0xD, v4;
	v36 =	vor.u32 $0xE, v4;
	v6 =	vmin.u32 v3, v6  }
0x99: {  	v45 =	vor.u32 $0xF, v4;
	vm1 =	vgt.s32 v6, $0x12;
	vm2 =	vgt.s32 v6, $0x14  }
0x9a: {  	vm15 =	vgt.s32 v6, $0x17;
	v8 =	vsel vm1, $0x11, v1;
	v9 =	vsel vm2, $0x1, v2  }
0x9b: {  	vm4 =	vgt.s32 v6, $0x1A;
	v32 =	vsel vm15, $0x1, v2;
	v8 =	vadd.s32 v9, v8  }
0x9c: {  	vm5 =	vgt.s32 v6, $0x1E;
	v33 =	vsel vm4, $0x1, v2;
	v8 =	vadd.s32 v32, v8  }
0x9d: {  	vm3 =	vgt.s32 v6, $0x22;
	[tilespmem:s25+$0x200] =	vst v5;
	v35 =	vsel vm5, $0x1, v2;
	v34 =	vadd.s32 v33, v8  }
0x9e: {  	vm6 =	vgt.s32 v6, $0x27;
	v37 =	vsel vm3, $0x1, v2;
	v7 =	vld.idx.msk [tilespmem:v7+s2+$0x0], $0xffff;
	v5 =	vadd.s32 v35, v34  }
0x9f: {  	vm7 =	vgt.s32 v6, $0x2D;
	v38 =	vsel vm6, $0x1, v2;
	v5 =	vadd.s32 v37, v5  }
0xa0: {  	vm8 =	vgt.s32 v6, $0x33;
	v39 =	vsel vm7, $0x1, v2;
	v5 =	vadd.s32 v38, v5  }
0xa1: {  	vm9 =	vgt.s32 v6, $0x3A;
	v40 =	vsel vm8, $0x1, v2;
	v5 =	vadd.s32 v39, v5  }
0xa2: {  	vm10 =	vgt.s32 v6, $0x42;
	v41 =	vsel vm9, $0x1, v2;
	v5 =	vadd.s32 v40, v5  }
0xa3: {  	vm11 =	vgt.s32 v6, $0x4C;
	v42 =	vsel vm10, $0x1, v2;
	[tilespmem:s25+$0x280] =	vst v7;
	v5 =	vadd.s32 v41, v5  }
0xa4: {  	vm0 =	vgt.s32 v6, $0x56;
	v44 =	vsel vm11, $0x1, v2;
	v43 =	vld.idx.msk [tilespmem:v36+s2+$0x0], $0xffff;
	v5 =	vadd.s32 v42, v5  }
0xa5: {  	vm12 =	vgt.s32 v6, $0x62;
	v46 =	vsel vm0, $0x1, v2;
	v5 =	vadd.s32 v44, v5  }
0xa6: {  	vm13 =	vgt.s32 v6, $0x70;
	v47 =	vsel vm12, $0x1, v2;
	v5 =	vadd.s32 v46, v5  }
0xa7: {  	v48 =	vsel vm13, $0x1, v2;
	v5 =	vadd.s32 v47, v5  }
0xa8: {  	vm14 =	vlt.s32 v6, $0x10;
	vm15 =	vlt.s32 v2, v3;
	v5 =	vadd.s32 v48, v5  }
0xa9: {  	v49 =	vsel vm15, $0x20, v2;
	[tilespmem:s25+$0x300] =	vst v43;
	v3 =	vsel vm14, v6, v5  }
0xaa: {  	v4 =	vld.idx.msk [tilespmem:v45+s2+$0x0], $0xffff;
	v3 =	vadd.s32 v49, v3  }
0xab: {  	v3 =	vshll.u32 v3, $0x4;
	_ =	sdelay $0x3  }
0xac: {  	[tilespmem:s25+$0x380] =	vst v4  }
0xad: {  	v4 =	vld.idx.msk [tilespmem:v3+s2+$0x0], $0xffff  }
0xae: {  	v50 =	vor.u32 $0x1, v3;
	_ =	sdelay $0x2  }
0xaf: {  	s26 =	sadd.s32 $0x10, s25  }
0xb0: {  	[tilespmem:s26+$0xFFFFFC00] =	vst v4  }
0xb1: {  	v4 =	vld.idx.msk [tilespmem:v50+s2+$0x0], $0xffff  }
0xb2: {  	v51 =	vor.u32 $0x2, v3;
	_ =	sdelay $0x3  }
0xb3: {  	[tilespmem:s26+$0xFFFFFC80] =	vst v4  }
0xb4: {  	v4 =	vld.idx.msk [tilespmem:v51+s2+$0x0], $0xffff  }
0xb5: {  	v52 =	vor.u32 $0x3, v3;
	_ =	sdelay $0x3  }
0xb6: {  	[tilespmem:s26+$0xFFFFFD00] =	vst v4  }
0xb7: {  	v4 =	vld.idx.msk [tilespmem:v52+s2+$0x0], $0xffff  }
0xb8: {  	v53 =	vor.u32 $0x4, v3;
	_ =	sdelay $0x3  }
0xb9: {  	[tilespmem:s26+$0xFFFFFD80] =	vst v4  }
0xba: {  	v4 =	vld.idx.msk [tilespmem:v53+s2+$0x0], $0xffff  }
0xbb: {  	v54 =	vor.u32 $0x5, v3;
	_ =	sdelay $0x3  }
0xbc: {  	[tilespmem:s26+$0xFFFFFE00] =	vst v4  }
0xbd: {  	v4 =	vld.idx.msk [tilespmem:v54+s2+$0x0], $0xffff  }
0xbe: {  	v55 =	vor.u32 $0x6, v3;
	_ =	sdelay $0x3  }
0xbf: {  	[tilespmem:s26+$0xFFFFFE80] =	vst v4  }
0xc0: {  	v4 =	vld.idx.msk [tilespmem:v55+s2+$0x0], $0xffff  }
0xc1: {  	v56 =	vor.u32 $0x7, v3;
	_ =	sdelay $0x3  }
0xc2: {  	[tilespmem:s26+$0xFFFFFF00] =	vst v4  }
0xc3: {  	v4 =	vld.idx.msk [tilespmem:v56+s2+$0x0], $0xffff  }
0xc4: {  	v57 =	vor.u32 $0x8, v3;
	_ =	sdelay $0x3  }
0xc5: {  	[tilespmem:s26+$0xFFFFFF80] =	vst v4  }
0xc6: {  	v4 =	vld.idx.msk [tilespmem:v57+s2+$0x0], $0xffff  }
0xc7: {  	v58 =	vor.u32 $0x9, v3;
	_ =	sdelay $0x3  }
0xc8: {  	[tilespmem:s26+$0x0] =	vst v4  }
0xc9: {  	v4 =	vld.idx.msk [tilespmem:v58+s2+$0x0], $0xffff  }
0xca: {  	v59 =	vor.u32 $0xA, v3;
	_ =	sdelay $0x3  }
0xcb: {  	[tilespmem:s26+$0x80] =	vst v4  }
0xcc: {  	v4 =	vld.idx.msk [tilespmem:v59+s2+$0x0], $0xffff  }
0xcd: {  	v60 =	vor.u32 $0xB, v3;
	_ =	sdelay $0x3  }
0xce: {  	[tilespmem:s26+$0x100] =	vst v4  }
0xcf: {  	v4 =	vld.idx.msk [tilespmem:v60+s2+$0x0], $0xffff  }
0xd0: {  	v61 =	vor.u32 $0xC, v3;
	_ =	sdelay $0x3  }
0xd1: {  	[tilespmem:s26+$0x180] =	vst v4  }
0xd2: {  	v4 =	vld.idx.msk [tilespmem:v61+s2+$0x0], $0xffff  }
0xd3: {  	v62 =	vor.u32 $0xD, v3;
	_ =	sdelay $0x3  }
0xd4: {  	[tilespmem:s26+$0x200] =	vst v4  }
0xd5: {  	v4 =	vld.idx.msk [tilespmem:v62+s2+$0x0], $0xffff  }
0xd6: {  	v63 =	vor.u32 $0xE, v3;
	_ =	sdelay $0x3  }
0xd7: {  	[tilespmem:s26+$0x280] =	vst v4  }
0xd8: {  	v4 =	vld.idx.msk [tilespmem:v63+s2+$0x0], $0xffff  }
0xd9: {  	v3 =	vor.u32 $0xF, v3;
	_ =	sdelay $0x3  }
0xda: {  	[tilespmem:s26+$0x300] =	vst v4  }
0xdb: {  	v3 =	vld.idx.msk [tilespmem:v3+s2+$0x0], $0xffff;
	_ =	sdelay $0x4  }
0xdc: {  	s28 =	simm.s32 $0x480;
	[tilespmem:s26+$0x380] =	vst v3  }
0xdd: {  	[hbm4b:s6+s2] =	stream.linear.scatter [tilespmem:s28], [sflag:$0x1], $0x80, $0x38;
	[tilespmem:$0xC80] =	vst v63  }
0xde: {  	_ =	swait.ge [sflag:s23], $0x80  }
0xdf: {  	[sflag:s23] =	ssyncset.done $0x0  }
0xe0: {  	s26 =	simm.s32 $0x500;
	[sflag:s23] =	ssyncadd.s32 $0xFFFFFF80  }
0xe1: {  	[hbm4b:s7+s2] =	stream.linear.scatter [tilespmem:s26], [sflag:$0x1], $0x80, $0x38;
	[tilespmem:$0xC80] =	vst v63  }
0xe2: {  	_ =	swait.ge [sflag:s23], $0x80  }
0xe3: {  	[sflag:s23] =	ssyncset.done $0x0  }
0xe4: {  	s28 =	simm.s32 $0x580;
	[sflag:s23] =	ssyncadd.s32 $0xFFFFFF80  }
0xe5: {  	[hbm4b:s8+s2] =	stream.linear.scatter [tilespmem:s28], [sflag:$0x1], $0x80, $0x38;
	[tilespmem:$0xC80] =	vst v63  }
0xe6: {  	_ =	swait.ge [sflag:s23], $0x80  }
0xe7: {  	[sflag:s23] =	ssyncset.done $0x0  }
0xe8: {  	s26 =	simm.s32 $0x600;
	[sflag:s23] =	ssyncadd.s32 $0xFFFFFF80  }
0xe9: {  	[hbm4b:s9+s2] =	stream.linear.scatter [tilespmem:s26], [sflag:$0x1], $0x80, $0x38;
	[tilespmem:$0xC80] =	vst v63  }
0xea: {  	_ =	swait.ge [sflag:s23], $0x80  }
0xeb: {  	[sflag:s23] =	ssyncset.done $0x0  }
0xec: {  	s28 =	simm.s32 $0x680;
	[sflag:s23] =	ssyncadd.s32 $0xFFFFFF80  }
0xed: {  	[hbm4b:s10+s2] =	stream.linear.scatter [tilespmem:s28], [sflag:$0x1], $0x80, $0x38;
	[tilespmem:$0xC80] =	vst v63  }
0xee: {  	_ =	swait.ge [sflag:s23], $0x80  }
0xef: {  	[sflag:s23] =	ssyncset.done $0x0  }
0xf0: {  	s26 =	simm.s32 $0x700;
	[sflag:s23] =	ssyncadd.s32 $0xFFFFFF80  }
0xf1: {  	[hbm4b:s11+s2] =	stream.linear.scatter [tilespmem:s26], [sflag:$0x1], $0x80, $0x38;
	[tilespmem:$0xC80] =	vst v63  }
0xf2: {  	_ =	swait.ge [sflag:s23], $0x80  }
0xf3: {  	[sflag:s23] =	ssyncset.done $0x0  }
0xf4: {  	s28 =	simm.s32 $0x780;
	[sflag:s23] =	ssyncadd.s32 $0xFFFFFF80  }
0xf5: {  	[hbm4b:s12+s2] =	stream.linear.scatter [tilespmem:s28], [sflag:$0x1], $0x80, $0x38;
	[tilespmem:$0xC80] =	vst v63  }
0xf6: {  	_ =	swait.ge [sflag:s23], $0x80  }
0xf7: {  	[sflag:s23] =	ssyncset.done $0x0  }
0xf8: {  	s26 =	simm.s32 $0x800;
	[sflag:s23] =	ssyncadd.s32 $0xFFFFFF80  }
0xf9: {  	[hbm4b:s13+s2] =	stream.linear.scatter [tilespmem:s26], [sflag:$0x1], $0x80, $0x38;
	[tilespmem:$0xC80] =	vst v63  }
0xfa: {  	_ =	swait.ge [sflag:s23], $0x80  }
0xfb: {  	[sflag:s23] =	ssyncset.done $0x0  }
0xfc: {  	[sflag:s23] =	ssyncadd.s32 $0xFFFFFF80  }
0xfd: {  	[hbm4b:s14+s2] =	stream.linear.scatter [tilespmem:s24], [sflag:$0x1], $0x80, $0x38;
	[tilespmem:$0xC80] =	vst v63  }
0xfe: {  	_ =	swait.ge [sflag:s23], $0x80  }
0xff: {  	[sflag:s23] =	ssyncset.done $0x0  }
0x100: {  	s28 =	simm.s32 $0x900;
	[sflag:s23] =	ssyncadd.s32 $0xFFFFFF80  }
0x101: {  	[hbm4b:s15+s2] =	stream.linear.scatter [tilespmem:s28], [sflag:$0x1], $0x80, $0x38;
	[tilespmem:$0xC80] =	vst v63  }
0x102: {  	_ =	swait.ge [sflag:s23], $0x80  }
0x103: {  	[sflag:s23] =	ssyncset.done $0x0  }
0x104: {  	s26 =	simm.s32 $0x980;
	[sflag:s23] =	ssyncadd.s32 $0xFFFFFF80  }
0x105: {  	[hbm4b:s16+s2] =	stream.linear.scatter [tilespmem:s26], [sflag:$0x1], $0x80, $0x38;
	[tilespmem:$0xC80] =	vst v63  }
0x106: {  	_ =	swait.ge [sflag:s23], $0x80  }
0x107: {  	[sflag:s23] =	ssyncset.done $0x0  }
0x108: {  	s28 =	simm.s32 $0xA00;
	[sflag:s23] =	ssyncadd.s32 $0xFFFFFF80  }
0x109: {  	[hbm4b:s17+s2] =	stream.linear.scatter [tilespmem:s28], [sflag:$0x1], $0x80, $0x38;
	[tilespmem:$0xC80] =	vst v63  }
0x10a: {  	_ =	swait.ge [sflag:s23], $0x80  }
0x10b: {  	[sflag:s23] =	ssyncset.done $0x0  }
0x10c: {  	[sflag:s23] =	ssyncadd.s32 $0xFFFFFF80  }
0x10d: {  	[hbm4b:s18+s2] =	stream.linear.scatter [tilespmem:s29], [sflag:$0x1], $0x80, $0x38;
	[tilespmem:$0xC80] =	vst v63  }
0x10e: {  	_ =	swait.ge [sflag:s23], $0x80  }
0x10f: {  	[sflag:s23] =	ssyncset.done $0x0  }
0x110: {  	[sflag:s23] =	ssyncadd.s32 $0xFFFFFF80  }
0x111: {  	[hbm4b:s19+s2] =	stream.linear.scatter [tilespmem:s30], [sflag:$0x1], $0x80, $0x38;
	[tilespmem:$0xC80] =	vst v63  }
0x112: {  	_ =	swait.ge [sflag:s23], $0x80  }
0x113: {  	[sflag:s23] =	ssyncset.done $0x0  }
0x114: {  	[sflag:s23] =	ssyncadd.s32 $0xFFFFFF80  }
0x115: {  	[hbm4b:s20+s2] =	stream.linear.scatter [tilespmem:s31], [sflag:$0x1], $0x80, $0x38;
	[tilespmem:$0xC80] =	vst v63  }
0x116: {  	s1 =	sadd.s32 $0x1, s1;
	_ =	swait.ge [sflag:s23], $0x80  }
0x117: {  	p0 =	sne.s32 s1, s22;
	[sflag:s23] =	ssyncset.done $0x0  }
.Ltmp1:
0x118: {  	[sflag:s23] =	ssyncadd.s32 $0xFFFFFF80;
	(pc) =	sbr.rel @p0 .LBB2_1-.Ltmp1, $4  }
0x119: {  	[hbm4b:s21+s2] =	stream.linear.scatter [tilespmem:s0], [sflag:$0x1], $0x80, $0x38;
	[tilespmem:$0xC80] =	vst v63  }
0x11a: {  	_ =	swait.ge [sflag:s23], $0x80  }
0x11b: {  	[sflag:s23] =	ssyncset.done $0x0  }
0x11c: {  	[sflag:s23] =	ssyncadd.s32 $0xFFFFFF80  }
0x11d: {  	_ =	sfence.sel $0x180000  }
0x11e: {  	[bflag:$0x0] =	sbarrier.arrive $0xFFFF  }
0x11f: {  	_ =	strace $0x90000047  }
0x120: {  	s0 =	stileid.u32;
	[bflag:$0x2] =	sbarrier.arrive $0xFFFF  }
0x121: {  	p0 =	sne.s32 s0, $0x0;
	s0 =	rddreg [dreg:$0x2]  }
0x122: {  	s0 =	sadd.s32 @!p0 $0x100000, s0  }
0x123: {  	[sflag:s0] =	ssyncadd.tile.s32 @!p0 $0x1;
	_ =	shalt  }
.Lfunc_end2:
_tile_overlayer_lowered:
.L_overlay_start_2:
0x124: {  	(tag) =	ssettag $0x2  }
0x125: {  	s0 =	rddreg [dreg:$0x0];
	s2 =	stileid.u32  }
0x126: {  	s1 =	rddreg [dreg:$0x1];
	p0 =	sne.s32 s2, $0x0  }
0x127: {  	s3 =	rddreg [dreg:$0x2];
	[bflag:$0x3] =	sbarrier.arrive $0xFFFF;
	s2 =	simm.s32 @!p0 $0x1C01  }
0x128: {  	[timem:s3], [sflag:s2] =	dma.local @!p0 [hbm:s0], s1  }
0x129: {  	s0 =	simm.s32 @!p0 $0x1  }
0x12a: {  	_ =	swait.ge @!p0 [sflag:s0], s1  }
0x12b: {  	s1 =	ssub.s32 @!p0 $0x0, s1;
	[sflag:s0] =	ssyncset.done @!p0 $0x0  }
0x12c: {  	[sflag:s0] =	ssyncadd.s32 @!p0 s1  }
0x12d: {  	[bflag:$0x3] =	sbarrier.arrive $0xFFFF  }
0x12e: {  	_ =	shalt  }

</sc_bundles>
